<compile_context>
chip_gen: v7x
topology: tpu7x:2x2x1
jax: 0.10.2.dev20260603
libtpu: 0.0.44.dev20260713+nightly
codegen_flags: <defaults>
</compile_context>

<pallas_src>
import dataclasses
import functools

import jax
import jax.numpy as jnp
from jax.experimental import pallas as pl
from jax.experimental.pallas import tpu as pltpu
from jax.experimental.pallas import tpu_sc as plsc

_GW = 96
_NBUF = 2
_NW = 32
_KWIN = 2000


def _sc_invert_and_gather(x_pad, kin_flat, kout_flat, n, n_pad, k):
    m_pad = k * n_pad
    ipt = m_pad // _NW
    nwin = ipt // _GW
    mesh = plsc.VectorSubcoreMesh(core_axis_name="c", subcore_axis_name="s")

    row_t = pltpu.VMEM((_GW, 128), x_pad.dtype)
    scratch = [
        pltpu.VMEM((n_pad,), jnp.int32),
        pltpu.VMEM((_KWIN,), jnp.int32),
        pltpu.VMEM((_KWIN,), jnp.int32),
        pltpu.VMEM((ipt,), jnp.int32),
    ] + [row_t] * _NBUF + [pltpu.SemaphoreType.DMA] * (2 * _NBUF)

    out_types = (
        jax.ShapeDtypeStruct((m_pad, 128), x_pad.dtype),
        jax.ShapeDtypeStruct((m_pad,), jnp.int32),
    )

    cp = pltpu.CompilerParams()
    if "needs_layout_passes" in pltpu.CompilerParams.__dataclass_fields__:
        cp = dataclasses.replace(cp, needs_layout_passes=False)

    @functools.partial(pl.kernel, out_type=out_types, mesh=mesh,
                       scratch_types=scratch, compiler_params=cp)
    def sc_kernel(x_hbm, kin_hbm, kout_hbm, g_hbm, inv_hbm,
                  a_k, kin_v, kout_v, idx_v, r0, r1, g0, g1, w0, w1):
        rows = (r0, r1)
        gsem = (g0, g1)
        wsem = (w0, w1)
        cid = jax.lax.axis_index("c")
        sid = jax.lax.axis_index("s")
        wid = sid * 2 + cid
        base = wid * ipt

        for rep in range(2):
            kk = rep * 16 + sid

            @pl.when(kk < k)
            def _():
                @pl.loop(0, n_pad, step=16)
                def _(i):
                    a_k[pl.ds(i, 16)] = jnp.full((16,), n, jnp.int32)

                @pl.loop(0, n, step=_KWIN)
                def _(w):
                    pltpu.sync_copy(
                        kin_hbm.at[pl.ds(kk * n + w, _KWIN)], kin_v)
                    pltpu.sync_copy(
                        kout_hbm.at[pl.ds(kk * n + w, _KWIN)], kout_v)

                    @pl.loop(0, _KWIN, step=16)
                    def _(q):
                        plsc.store_scatter(
                            a_k, [kout_v[pl.ds(q, 16)]], kin_v[pl.ds(q, 16)]
                        )

                pltpu.sync_copy(a_k, inv_hbm.at[pl.ds(kk * n_pad, n_pad)])

        plsc.subcore_barrier()

        pltpu.sync_copy(inv_hbm.at[pl.ds(base, ipt)], idx_v)

        def o_slice(j):
            return g_hbm.at[pl.ds(base + j * _GW, _GW)]

        def fire_gather(j, b):
            pltpu.make_async_copy(
                x_hbm.at[idx_v.at[pl.ds(j * _GW, _GW)]], rows[b], gsem[b]
            ).start()

        def writeback(j, b):
            pltpu.make_async_copy(
                x_hbm.at[idx_v.at[pl.ds(j * _GW, _GW)]], rows[b], gsem[b]
            ).wait()
            pltpu.make_async_copy(rows[b], o_slice(j), wsem[b]).start()

        def wait_wb(j, b):
            pltpu.make_async_copy(rows[b], o_slice(j), wsem[b]).wait()

        @pl.loop(0, nwin - 1, step=_NBUF)
        def _(j0):
            for b in range(_NBUF):
                j = j0 + b

                @pl.when(j >= _NBUF)
                def _():
                    wait_wb(j - _NBUF, b)

                fire_gather(j, b)

                @pl.when(j >= _NBUF - 1)
                def _():
                    writeback(j - (_NBUF - 1), (b + 1) % _NBUF)

        last = nwin - 1
        lb = last % _NBUF
        wait_wb(last - _NBUF, lb)
        fire_gather(last, lb)
        for j in range(last - (_NBUF - 1), last + 1):
            writeback(j, j % _NBUF)
        for j in range(last - (_NBUF - 1), last + 1):
            wait_wb(j, j % _NBUF)

    return sc_kernel(x_pad, kin_flat, kout_flat)[0]


def _tc_matmul(g3, w, bias2d, n_pad, k, bi):

    def body(g_ref, w_ref, b_ref, o_ref):
        acc = jnp.dot(g_ref[0], w_ref[0], preferred_element_type=jnp.float32)
        for kk in range(1, k):
            acc = acc + jnp.dot(
                g_ref[kk], w_ref[kk], preferred_element_type=jnp.float32
            )
        o_ref[...] = acc + b_ref[...]

    return pl.pallas_call(
        body,
        grid=(n_pad // bi,),
        in_specs=[
            pl.BlockSpec((k, bi, 128), lambda i: (0, i, 0)),
            pl.BlockSpec((k, 128, 128), lambda i: (0, 0, 0)),
            pl.BlockSpec((1, 128), lambda i: (0, 0)),
        ],
        out_specs=pl.BlockSpec((bi, 128), lambda i: (i, 0)),
        out_shape=jax.ShapeDtypeStruct((n_pad, 128), jnp.float32),
    )(g3, w, bias2d)


def kernel(x, weight, bias, kmap_in, kmap_out):
    n, cin = x.shape
    k, _, cout = weight.shape

    n_pad = ((n + 1023) // 1024) * 1024

    x_pad = jnp.concatenate([x, jnp.zeros((1, cin), x.dtype)], axis=0)

    g = _sc_invert_and_gather(
        x_pad,
        kmap_in.astype(jnp.int32).reshape(-1),
        kmap_out.astype(jnp.int32).reshape(-1),
        n, n_pad, k,
    )
    g3 = g.reshape(k, n_pad, cin)

    out_full = _tc_matmul(
        g3, weight, bias.reshape(1, cout), n_pad, k, bi=448,
    )
    return out_full[:n]

# --- scband reference (transcript-rebuilt; emitter-appended) ---
"""Pipeline reference for scband-sparse-conv3d-63496796504735 (READ-ONLY COPY).

The authoritative reference and input builder live on the scoring server;
editing this copy changes nothing except your own understanding.
"""

import jax, jax.numpy as jnp
import numpy as np
import itertools, math


def _build_kmap(N=50000, G=48):
    # Deterministic sparse voxel grid + 3x3x3 stride-1 kernel map (gather/scatter pairs),
    # mirroring fvdb's sparse_conv_kernel_map for same in/out grid.
    rng = np.random.default_rng(0)
    lin = rng.choice(G ** 3, size=N, replace=False)
    lut = -np.ones(G ** 3, dtype=np.int64)
    lut[lin] = np.arange(N)
    coords = np.stack(np.unravel_index(lin, (G, G, G)), axis=-1)
    K = 27
    kmap_in = np.full((K, N), N, dtype=np.int32)   # pad with dummy index N
    kmap_out = np.full((K, N), N, dtype=np.int32)
    for k, (dx, dy, dz) in enumerate(itertools.product((-1, 0, 1), repeat=3)):
        nb = coords + np.array([dx, dy, dz])
        valid = np.all((nb >= 0) & (nb < G), axis=1)
        out_idx = np.arange(N)[valid]
        nb_lin = np.ravel_multi_index(tuple(nb[valid].T), (G, G, G))
        in_idx = lut[nb_lin]
        occ = in_idx >= 0
        P = int(occ.sum())
        kmap_in[k, :P] = in_idx[occ].astype(np.int32)
        kmap_out[k, :P] = out_idx[occ].astype(np.int32)
    return kmap_in, kmap_out


def setup_inputs(seed: int = 0):
    key = jax.random.key(seed)
    N, Cin, Cout, K = 50000, 128, 128, 27
    k1, k2, k3 = jax.random.split(key, 3)
    x = jax.random.normal(k1, (N, Cin), dtype=jnp.float32)
    std = 1.0 / math.sqrt(Cin * K)  # matches reset_parameters
    weight = jax.random.uniform(k2, (K, Cin, Cout), minval=-std, maxval=std, dtype=jnp.float32)
    bias = jax.random.uniform(k3, (Cout,), minval=-std, maxval=std, dtype=jnp.float32)
    kmap_in, kmap_out = _build_kmap(N)
    return {
        "x": x,
        "weight": weight,
        "bias": bias,
        "kmap_in": jnp.asarray(kmap_in),
        "kmap_out": jnp.asarray(kmap_out),
    }


def reference(x, weight, bias, kmap_in, kmap_out):
    # Gather-scatter sparse 3D convolution (kernel 3x3x3, stride 1, same grid):
    # for each kernel offset k: out[kmap_out[k]] += x[kmap_in[k]] @ W_k ; then + bias.
    N, Cin = x.shape
    K, _, Cout = weight.shape
    x_pad = jnp.concatenate([x, jnp.zeros((1, Cin), dtype=x.dtype)], axis=0)
    out = jnp.zeros((N + 1, Cout), dtype=x.dtype)
    for k in range(K):
        gathered = jnp.take(x_pad, kmap_in[k], axis=0)
        out = out.at[kmap_out[k]].add(gathered @ weight[k])
    return out[:N] + bias[None, :]

if __name__ == "__main__":
    import jax
    _d = setup_inputs()
    print(jax.jit(kernel)(*tuple(_d.values())))

</pallas_src>

<mosaic_0001>
#map = affine_map<(d0, d1) -> (0, 0)>
#map1 = affine_map<(d0, d1) -> (0)>
module attributes {stable_mosaic.version = 14 : i64} {
  func.func @sc_kernel(%arg0: i32, %arg1: i32, %arg2: memref<50001x128xf32, #tpu.memory_space<hbm>>, %arg3: memref<1350000xi32, #tpu.memory_space<hbm>>, %arg4: memref<1350000xi32, #tpu.memory_space<hbm>>, %arg5: memref<1354752x128xf32, #tpu.memory_space<hbm>>, %arg6: memref<1354752xi32, #tpu.memory_space<hbm>>, %arg7: memref<50176xi32, #tpu.memory_space<vmem>>, %arg8: memref<2000xi32, #tpu.memory_space<vmem>>, %arg9: memref<2000xi32, #tpu.memory_space<vmem>>, %arg10: memref<42336xi32, #tpu.memory_space<vmem>>, %arg11: memref<96x128xf32, #tpu.memory_space<vmem>>, %arg12: memref<96x128xf32, #tpu.memory_space<vmem>>, %arg13: memref<!tpu.dma_semaphore, #tpu.memory_space<semaphore_mem>>, %arg14: memref<!tpu.dma_semaphore, #tpu.memory_space<semaphore_mem>>, %arg15: memref<!tpu.dma_semaphore, #tpu.memory_space<semaphore_mem>>, %arg16: memref<!tpu.dma_semaphore, #tpu.memory_space<semaphore_mem>>) attributes {dimension_semantics = [#tpu.dimension_semantics<core_parallel>, #tpu.dimension_semantics<subcore_parallel>], iteration_bounds = array<i64: 2, 16>, scalar_prefetch = 0 : i64, scratch_operands = 10 : i64, tpu.core_type = #tpu.core_type<sc_vector_subcore>, window_params = [{transform_indices = #map}, {transform_indices = #map1}, {transform_indices = #map1}, {transform_indices = #map}, {transform_indices = #map1}]} {
    %mul3A = arith.constant 2 : i32
    %mul3A_0 = arith.muli %arg1, %mul3A : i32
    %add3A = arith.addi %mul3A_0, %arg0 : i32
    %mul3A_1 = arith.constant 42336 : i32
    %mul3A_2 = arith.muli %add3A, %mul3A_1 : i32
    %add3A_3 = arith.constant 0 : i32
    %add3A_4 = arith.addi %add3A_3, %arg1 : i32
    %lt3A = arith.constant 27 : i32
    %lt3A_5 = arith.cmpi slt, %add3A_4, %lt3A : i32
    %convert_element_type3A = arith.extui %lt3A_5 : i1 to i32
    %cond3A = arith.constant 0 : i32
    %cond3A_6 = arith.cmpi ne, %convert_element_type3A, %cond3A : i32
    scf.if %cond3A_6 {
      %scan3A_61 = arith.constant 0 : i32
      %scan3A_62 = arith.constant 3136 : i32
      %scan3A_63 = arith.addi %scan3A_61, %scan3A_62 : i32
      %scan3A_64 = arith.constant 1 : i32
      scf.for %scan3A_73 = %scan3A_61 to %scan3A_63 step %scan3A_64  : i32 {
        %mul3A_74 = arith.constant 16 : i32
        %mul3A_75 = arith.muli %scan3A_73, %mul3A_74 : i32
        %add3A_76 = arith.constant 0 : i32
        %add3A_77 = arith.addi %add3A_76, %mul3A_75 : i32
        %broadcast_in_dim3A = arith.constant 50000 : i32
        %broadcast_in_dim3A_78 = vector.broadcast %broadcast_in_dim3A : i32 to vector<16xi32>
        %swap3A = arith.index_cast %add3A_77 : i32 to index
        %swap3A_79 = tpu.vector_load %arg7[%swap3A] {strides = array<i32>} : memref<50176xi32, #tpu.memory_space<vmem>>, vector<16xi32>,
        tpu.vector_store %arg7[%swap3A], %broadcast_in_dim3A_78 {strides = array<i32>} : memref<50176xi32, #tpu.memory_space<vmem>>, vector<16xi32>,
      }
      %scan3A_65 = arith.constant 3136 : i32
      %scan3A_66 = arith.constant 0 : i32
      %scan3A_67 = arith.constant 25 : i32
      %scan3A_68 = arith.addi %scan3A_66, %scan3A_67 : i32
      %scan3A_69 = arith.constant 1 : i32
      scf.for %scan3A_73 = %scan3A_66 to %scan3A_68 step %scan3A_69  : i32 {
        %mul3A_74 = arith.constant 2000 : i32
        %mul3A_75 = arith.muli %scan3A_73, %mul3A_74 : i32
        %add3A_76 = arith.constant 0 : i32
        %add3A_77 = arith.addi %add3A_76, %mul3A_75 : i32
        %mul3A_78 = arith.constant 50000 : i32
        %mul3A_79 = arith.muli %add3A_4, %mul3A_78 : i32
        %add3A_80 = arith.addi %mul3A_79, %add3A_77 : i32
        "tpu.region"() ({
          %run_scoped3A = tpu.sem_alloc : memref<!tpu.dma_semaphore, #tpu.memory_space<semaphore_mem>>
          %dma_start3A_89 = tpu.memref_slice %arg3[%add3A_80] : memref<1350000xi32, #tpu.memory_space<hbm>> -> memref<2000xi32, #tpu.memory_space<hbm>>
          %dma_start3A_90 = tpu.memref_slice %arg3[%add3A_80] : memref<1350000xi32, #tpu.memory_space<hbm>> -> memref<2000xi32, #tpu.memory_space<hbm>>
          tpu.enqueue_dma source(%dma_start3A_90 : memref<2000xi32, #tpu.memory_space<hbm>>) target(%arg8 : memref<2000xi32, #tpu.memory_space<vmem>>) target_semaphore(%run_scoped3A : memref<!tpu.dma_semaphore, #tpu.memory_space<semaphore_mem>>)
          %dma_wait3A_91 = tpu.memref_slice %arg3[%add3A_80] : memref<1350000xi32, #tpu.memory_space<hbm>> -> memref<2000xi32, #tpu.memory_space<hbm>>
          %dma_wait3A_92 = tpu.memref_slice %arg3[%add3A_80] : memref<1350000xi32, #tpu.memory_space<hbm>> -> memref<2000xi32, #tpu.memory_space<hbm>>
          tpu.wait_dma2 semaphore(%run_scoped3A : memref<!tpu.dma_semaphore, #tpu.memory_space<semaphore_mem>>) src(%dma_wait3A_92 : memref<2000xi32, #tpu.memory_space<hbm>>) dst(%arg8 : memref<2000xi32, #tpu.memory_space<vmem>>)
          tpu.yield
        }) : () -> ()
        %mul3A_81 = arith.constant 50000 : i32
        %mul3A_82 = arith.muli %add3A_4, %mul3A_81 : i32
        %add3A_83 = arith.addi %mul3A_82, %add3A_77 : i32
        "tpu.region"() ({
          %run_scoped3A = tpu.sem_alloc : memref<!tpu.dma_semaphore, #tpu.memory_space<semaphore_mem>>
          %dma_start3A_89 = tpu.memref_slice %arg4[%add3A_83] : memref<1350000xi32, #tpu.memory_space<hbm>> -> memref<2000xi32, #tpu.memory_space<hbm>>
          %dma_start3A_90 = tpu.memref_slice %arg4[%add3A_83] : memref<1350000xi32, #tpu.memory_space<hbm>> -> memref<2000xi32, #tpu.memory_space<hbm>>
          tpu.enqueue_dma source(%dma_start3A_90 : memref<2000xi32, #tpu.memory_space<hbm>>) target(%arg9 : memref<2000xi32, #tpu.memory_space<vmem>>) target_semaphore(%run_scoped3A : memref<!tpu.dma_semaphore, #tpu.memory_space<semaphore_mem>>)
          %dma_wait3A_91 = tpu.memref_slice %arg4[%add3A_83] : memref<1350000xi32, #tpu.memory_space<hbm>> -> memref<2000xi32, #tpu.memory_space<hbm>>
          %dma_wait3A_92 = tpu.memref_slice %arg4[%add3A_83] : memref<1350000xi32, #tpu.memory_space<hbm>> -> memref<2000xi32, #tpu.memory_space<hbm>>
          tpu.wait_dma2 semaphore(%run_scoped3A : memref<!tpu.dma_semaphore, #tpu.memory_space<semaphore_mem>>) src(%dma_wait3A_92 : memref<2000xi32, #tpu.memory_space<hbm>>) dst(%arg9 : memref<2000xi32, #tpu.memory_space<vmem>>)
          tpu.yield
        }) : () -> ()
        %scan3A_84 = arith.constant 0 : i32
        %scan3A_85 = arith.constant 125 : i32
        %scan3A_86 = arith.addi %scan3A_84, %scan3A_85 : i32
        %scan3A_87 = arith.constant 1 : i32
        scf.for %scan3A_89 = %scan3A_84 to %scan3A_86 step %scan3A_87  : i32 {
          %mul3A_90 = arith.constant 16 : i32
          %mul3A_91 = arith.muli %scan3A_89, %mul3A_90 : i32
          %add3A_92 = arith.constant 0 : i32
          %add3A_93 = arith.addi %add3A_92, %mul3A_91 : i32
          %get3A = arith.index_cast %add3A_93 : i32 to index
          %get3A_94 = tpu.vector_load %arg9[%get3A] {strides = array<i32>} : memref<2000xi32, #tpu.memory_space<vmem>>, vector<16xi32>,
          %get3A_95 = arith.index_cast %add3A_93 : i32 to index
          %get3A_96 = tpu.vector_load %arg8[%get3A_95] {strides = array<i32>} : memref<2000xi32, #tpu.memory_space<vmem>>, vector<16xi32>,
          tpu.vector_store_idx %arg7[%get3A_94], %get3A_96 : memref<50176xi32, #tpu.memory_space<vmem>>[vector<16xi32>], vector<16xi32>,
        }
        %scan3A_88 = arith.constant 125 : i32
      }
      %scan3A_70 = arith.constant 25 : i32
      %mul3A_71 = arith.constant 50176 : i32
      %mul3A_72 = arith.muli %add3A_4, %mul3A_71 : i32
      "tpu.region"() ({
        %run_scoped3A = tpu.sem_alloc : memref<!tpu.dma_semaphore, #tpu.memory_space<semaphore_mem>>
        %dma_start3A_73 = tpu.memref_slice %arg6[%mul3A_72] : memref<1354752xi32, #tpu.memory_space<hbm>> -> memref<50176xi32, #tpu.memory_space<hbm>>
        %dma_start3A_74 = tpu.memref_slice %arg6[%mul3A_72] : memref<1354752xi32, #tpu.memory_space<hbm>> -> memref<50176xi32, #tpu.memory_space<hbm>>
        tpu.enqueue_dma source(%arg7 : memref<50176xi32, #tpu.memory_space<vmem>>) target(%dma_start3A_74 : memref<50176xi32, #tpu.memory_space<hbm>>) target_semaphore(%run_scoped3A : memref<!tpu.dma_semaphore, #tpu.memory_space<semaphore_mem>>)
        %dma_wait3A_75 = tpu.memref_slice %arg6[%mul3A_72] : memref<1354752xi32, #tpu.memory_space<hbm>> -> memref<50176xi32, #tpu.memory_space<hbm>>
        %dma_wait3A_76 = tpu.memref_slice %arg6[%mul3A_72] : memref<1354752xi32, #tpu.memory_space<hbm>> -> memref<50176xi32, #tpu.memory_space<hbm>>
        tpu.wait_dma2 semaphore(%run_scoped3A : memref<!tpu.dma_semaphore, #tpu.memory_space<semaphore_mem>>) src(%arg7 : memref<50176xi32, #tpu.memory_space<vmem>>) dst(%dma_wait3A_76 : memref<50176xi32, #tpu.memory_space<hbm>>)
        tpu.yield
      }) : () -> ()
    } else {
    }
    %add3A_7 = arith.constant 16 : i32
    %add3A_8 = arith.addi %add3A_7, %arg1 : i32
    %lt3A_9 = arith.constant 27 : i32
    %lt3A_10 = arith.cmpi slt, %add3A_8, %lt3A_9 : i32
    %convert_element_type3A_11 = arith.extui %lt3A_10 : i1 to i32
    %cond3A_12 = arith.constant 0 : i32
    %cond3A_13 = arith.cmpi ne, %convert_element_type3A_11, %cond3A_12 : i32
    scf.if %cond3A_13 {
      %scan3A_61 = arith.constant 0 : i32
      %scan3A_62 = arith.constant 3136 : i32
      %scan3A_63 = arith.addi %scan3A_61, %scan3A_62 : i32
      %scan3A_64 = arith.constant 1 : i32
      scf.for %scan3A_73 = %scan3A_61 to %scan3A_63 step %scan3A_64  : i32 {
        %mul3A_74 = arith.constant 16 : i32
        %mul3A_75 = arith.muli %scan3A_73, %mul3A_74 : i32
        %add3A_76 = arith.constant 0 : i32
        %add3A_77 = arith.addi %add3A_76, %mul3A_75 : i32
        %broadcast_in_dim3A = arith.constant 50000 : i32
        %broadcast_in_dim3A_78 = vector.broadcast %broadcast_in_dim3A : i32 to vector<16xi32>
        %swap3A = arith.index_cast %add3A_77 : i32 to index
        %swap3A_79 = tpu.vector_load %arg7[%swap3A] {strides = array<i32>} : memref<50176xi32, #tpu.memory_space<vmem>>, vector<16xi32>,
        tpu.vector_store %arg7[%swap3A], %broadcast_in_dim3A_78 {strides = array<i32>} : memref<50176xi32, #tpu.memory_space<vmem>>, vector<16xi32>,
      }
      %scan3A_65 = arith.constant 3136 : i32
      %scan3A_66 = arith.constant 0 : i32
      %scan3A_67 = arith.constant 25 : i32
      %scan3A_68 = arith.addi %scan3A_66, %scan3A_67 : i32
      %scan3A_69 = arith.constant 1 : i32
      scf.for %scan3A_73 = %scan3A_66 to %scan3A_68 step %scan3A_69  : i32 {
        %mul3A_74 = arith.constant 2000 : i32
        %mul3A_75 = arith.muli %scan3A_73, %mul3A_74 : i32
        %add3A_76 = arith.constant 0 : i32
        %add3A_77 = arith.addi %add3A_76, %mul3A_75 : i32
        %mul3A_78 = arith.constant 50000 : i32
        %mul3A_79 = arith.muli %add3A_8, %mul3A_78 : i32
        %add3A_80 = arith.addi %mul3A_79, %add3A_77 : i32
        "tpu.region"() ({
          %run_scoped3A = tpu.sem_alloc : memref<!tpu.dma_semaphore, #tpu.memory_space<semaphore_mem>>
          %dma_start3A_89 = tpu.memref_slice %arg3[%add3A_80] : memref<1350000xi32, #tpu.memory_space<hbm>> -> memref<2000xi32, #tpu.memory_space<hbm>>
          %dma_start3A_90 = tpu.memref_slice %arg3[%add3A_80] : memref<1350000xi32, #tpu.memory_space<hbm>> -> memref<2000xi32, #tpu.memory_space<hbm>>
          tpu.enqueue_dma source(%dma_start3A_90 : memref<2000xi32, #tpu.memory_space<hbm>>) target(%arg8 : memref<2000xi32, #tpu.memory_space<vmem>>) target_semaphore(%run_scoped3A : memref<!tpu.dma_semaphore, #tpu.memory_space<semaphore_mem>>)
          %dma_wait3A_91 = tpu.memref_slice %arg3[%add3A_80] : memref<1350000xi32, #tpu.memory_space<hbm>> -> memref<2000xi32, #tpu.memory_space<hbm>>
          %dma_wait3A_92 = tpu.memref_slice %arg3[%add3A_80] : memref<1350000xi32, #tpu.memory_space<hbm>> -> memref<2000xi32, #tpu.memory_space<hbm>>
          tpu.wait_dma2 semaphore(%run_scoped3A : memref<!tpu.dma_semaphore, #tpu.memory_space<semaphore_mem>>) src(%dma_wait3A_92 : memref<2000xi32, #tpu.memory_space<hbm>>) dst(%arg8 : memref<2000xi32, #tpu.memory_space<vmem>>)
          tpu.yield
        }) : () -> ()
        %mul3A_81 = arith.constant 50000 : i32
        %mul3A_82 = arith.muli %add3A_8, %mul3A_81 : i32
        %add3A_83 = arith.addi %mul3A_82, %add3A_77 : i32
        "tpu.region"() ({
          %run_scoped3A = tpu.sem_alloc : memref<!tpu.dma_semaphore, #tpu.memory_space<semaphore_mem>>
          %dma_start3A_89 = tpu.memref_slice %arg4[%add3A_83] : memref<1350000xi32, #tpu.memory_space<hbm>> -> memref<2000xi32, #tpu.memory_space<hbm>>
          %dma_start3A_90 = tpu.memref_slice %arg4[%add3A_83] : memref<1350000xi32, #tpu.memory_space<hbm>> -> memref<2000xi32, #tpu.memory_space<hbm>>
          tpu.enqueue_dma source(%dma_start3A_90 : memref<2000xi32, #tpu.memory_space<hbm>>) target(%arg9 : memref<2000xi32, #tpu.memory_space<vmem>>) target_semaphore(%run_scoped3A : memref<!tpu.dma_semaphore, #tpu.memory_space<semaphore_mem>>)
          %dma_wait3A_91 = tpu.memref_slice %arg4[%add3A_83] : memref<1350000xi32, #tpu.memory_space<hbm>> -> memref<2000xi32, #tpu.memory_space<hbm>>
          %dma_wait3A_92 = tpu.memref_slice %arg4[%add3A_83] : memref<1350000xi32, #tpu.memory_space<hbm>> -> memref<2000xi32, #tpu.memory_space<hbm>>
          tpu.wait_dma2 semaphore(%run_scoped3A : memref<!tpu.dma_semaphore, #tpu.memory_space<semaphore_mem>>) src(%dma_wait3A_92 : memref<2000xi32, #tpu.memory_space<hbm>>) dst(%arg9 : memref<2000xi32, #tpu.memory_space<vmem>>)
          tpu.yield
        }) : () -> ()
        %scan3A_84 = arith.constant 0 : i32
        %scan3A_85 = arith.constant 125 : i32
        %scan3A_86 = arith.addi %scan3A_84, %scan3A_85 : i32
        %scan3A_87 = arith.constant 1 : i32
        scf.for %scan3A_89 = %scan3A_84 to %scan3A_86 step %scan3A_87  : i32 {
          %mul3A_90 = arith.constant 16 : i32
          %mul3A_91 = arith.muli %scan3A_89, %mul3A_90 : i32
          %add3A_92 = arith.constant 0 : i32
          %add3A_93 = arith.addi %add3A_92, %mul3A_91 : i32
          %get3A = arith.index_cast %add3A_93 : i32 to index
          %get3A_94 = tpu.vector_load %arg9[%get3A] {strides = array<i32>} : memref<2000xi32, #tpu.memory_space<vmem>>, vector<16xi32>,
          %get3A_95 = arith.index_cast %add3A_93 : i32 to index
          %get3A_96 = tpu.vector_load %arg8[%get3A_95] {strides = array<i32>} : memref<2000xi32, #tpu.memory_space<vmem>>, vector<16xi32>,
          tpu.vector_store_idx %arg7[%get3A_94], %get3A_96 : memref<50176xi32, #tpu.memory_space<vmem>>[vector<16xi32>], vector<16xi32>,
        }
        %scan3A_88 = arith.constant 125 : i32
      }
      %scan3A_70 = arith.constant 25 : i32
      %mul3A_71 = arith.constant 50176 : i32
      %mul3A_72 = arith.muli %add3A_8, %mul3A_71 : i32
      "tpu.region"() ({
        %run_scoped3A = tpu.sem_alloc : memref<!tpu.dma_semaphore, #tpu.memory_space<semaphore_mem>>
        %dma_start3A_73 = tpu.memref_slice %arg6[%mul3A_72] : memref<1354752xi32, #tpu.memory_space<hbm>> -> memref<50176xi32, #tpu.memory_space<hbm>>
        %dma_start3A_74 = tpu.memref_slice %arg6[%mul3A_72] : memref<1354752xi32, #tpu.memory_space<hbm>> -> memref<50176xi32, #tpu.memory_space<hbm>>
        tpu.enqueue_dma source(%arg7 : memref<50176xi32, #tpu.memory_space<vmem>>) target(%dma_start3A_74 : memref<50176xi32, #tpu.memory_space<hbm>>) target_semaphore(%run_scoped3A : memref<!tpu.dma_semaphore, #tpu.memory_space<semaphore_mem>>)
        %dma_wait3A_75 = tpu.memref_slice %arg6[%mul3A_72] : memref<1354752xi32, #tpu.memory_space<hbm>> -> memref<50176xi32, #tpu.memory_space<hbm>>
        %dma_wait3A_76 = tpu.memref_slice %arg6[%mul3A_72] : memref<1354752xi32, #tpu.memory_space<hbm>> -> memref<50176xi32, #tpu.memory_space<hbm>>
        tpu.wait_dma2 semaphore(%run_scoped3A : memref<!tpu.dma_semaphore, #tpu.memory_space<semaphore_mem>>) src(%arg7 : memref<50176xi32, #tpu.memory_space<vmem>>) dst(%dma_wait3A_76 : memref<50176xi32, #tpu.memory_space<hbm>>)
        tpu.yield
      }) : () -> ()
    } else {
    }
    %barrier3A = arith.constant 0 : index
    tpu.barrier barrier_id(%barrier3A)
    "tpu.region"() ({
      %run_scoped3A = tpu.sem_alloc : memref<!tpu.dma_semaphore, #tpu.memory_space<semaphore_mem>>
      %dma_start3A_61 = tpu.memref_slice %arg6[%mul3A_2] : memref<1354752xi32, #tpu.memory_space<hbm>> -> memref<42336xi32, #tpu.memory_space<hbm>>
      %dma_start3A_62 = tpu.memref_slice %arg6[%mul3A_2] : memref<1354752xi32, #tpu.memory_space<hbm>> -> memref<42336xi32, #tpu.memory_space<hbm>>
      tpu.enqueue_dma source(%dma_start3A_62 : memref<42336xi32, #tpu.memory_space<hbm>>) target(%arg10 : memref<42336xi32, #tpu.memory_space<vmem>>) target_semaphore(%run_scoped3A : memref<!tpu.dma_semaphore, #tpu.memory_space<semaphore_mem>>)
      %dma_wait3A_63 = tpu.memref_slice %arg6[%mul3A_2] : memref<1354752xi32, #tpu.memory_space<hbm>> -> memref<42336xi32, #tpu.memory_space<hbm>>
      %dma_wait3A_64 = tpu.memref_slice %arg6[%mul3A_2] : memref<1354752xi32, #tpu.memory_space<hbm>> -> memref<42336xi32, #tpu.memory_space<hbm>>
      tpu.wait_dma2 semaphore(%run_scoped3A : memref<!tpu.dma_semaphore, #tpu.memory_space<semaphore_mem>>) src(%dma_wait3A_64 : memref<42336xi32, #tpu.memory_space<hbm>>) dst(%arg10 : memref<42336xi32, #tpu.memory_space<vmem>>)
      tpu.yield
    }) : () -> ()
    %scan3A = arith.constant 0 : i32
    %scan3A_14 = arith.constant 220 : i32
    %scan3A_15 = arith.addi %scan3A, %scan3A_14 : i32
    %scan3A_16 = arith.constant 1 : i32
    scf.for %scan3A_61 = %scan3A to %scan3A_15 step %scan3A_16  : i32 {
      %mul3A_62 = arith.constant 2 : i32
      %mul3A_63 = arith.muli %scan3A_61, %mul3A_62 : i32
      %add3A_64 = arith.constant 0 : i32
      %add3A_65 = arith.addi %add3A_64, %mul3A_63 : i32
      %add3A_66 = arith.constant 0 : i32
      %add3A_67 = arith.addi %add3A_65, %add3A_66 : i32
      %ge3A = arith.constant 2 : i32
      %ge3A_68 = arith.cmpi sge, %add3A_67, %ge3A : i32
      %convert_element_type3A_69 = arith.extui %ge3A_68 : i1 to i32
      %cond3A_70 = arith.constant 0 : i32
      %cond3A_71 = arith.cmpi ne, %convert_element_type3A_69, %cond3A_70 : i32
      scf.if %cond3A_71 {
        %sub3A = arith.constant 2 : i32
        %sub3A_101 = arith.subi %add3A_67, %sub3A : i32
        %mul3A_102 = arith.constant 96 : i32
        %mul3A_103 = arith.muli %sub3A_101, %mul3A_102 : i32
        %add3A_104 = arith.addi %mul3A_2, %mul3A_103 : i32
        %dma_wait3A_105 = arith.constant 0 : i32
        %dma_wait3A_106 = tpu.memref_slice %arg5[%add3A_104, %dma_wait3A_105] : memref<1354752x128xf32, #tpu.memory_space<hbm>> -> memref<96x128xf32, #tpu.memory_space<hbm>>
        %dma_wait3A_107 = arith.constant 0 : i32
        %dma_wait3A_108 = tpu.memref_slice %arg5[%add3A_104, %dma_wait3A_107] : memref<1354752x128xf32, #tpu.memory_space<hbm>> -> memref<96x128xf32, #tpu.memory_space<hbm>>
        tpu.wait_dma2 semaphore(%arg15 : memref<!tpu.dma_semaphore, #tpu.memory_space<semaphore_mem>>) src(%arg11 : memref<96x128xf32, #tpu.memory_space<vmem>>) dst(%dma_wait3A_108 : memref<96x128xf32, #tpu.memory_space<hbm>>)
      } else {
      }
      %mul3A_72 = arith.constant 96 : i32
      %mul3A_73 = arith.muli %add3A_67, %mul3A_72 : i32
      %dma_start3A_74 = tpu.memref_slice %arg10[%mul3A_73] : memref<42336xi32, #tpu.memory_space<vmem>> -> memref<96xi32, #tpu.memory_space<vmem>>
      %dma_start3A_75 = arith.constant 0 : i32
      %dma_start3A_76 = arith.constant 0 : i32
      %dma_start3A_77 = tpu.memref_slice %arg2[%dma_start3A_75, %dma_start3A_76] : memref<50001x128xf32, #tpu.memory_space<hbm>> -> memref<50001x128xf32, #tpu.memory_space<hbm>>
      tpu.enqueue_indirect_dma source(%dma_start3A_77 : memref<50001x128xf32, #tpu.memory_space<hbm>>) target(%arg11 : memref<96x128xf32, #tpu.memory_space<vmem>>) offsets(%dma_start3A_74 : memref<96xi32, #tpu.memory_space<vmem>>) semaphore(%arg13 : memref<!tpu.dma_semaphore, #tpu.memory_space<semaphore_mem>>)
      %ge3A_78 = arith.constant 1 : i32
      %ge3A_79 = arith.cmpi sge, %add3A_67, %ge3A_78 : i32
      %convert_element_type3A_80 = arith.extui %ge3A_79 : i1 to i32
      %cond3A_81 = arith.constant 0 : i32
      %cond3A_82 = arith.cmpi ne, %convert_element_type3A_80, %cond3A_81 : i32
      scf.if %cond3A_82 {
        %sub3A = arith.constant 1 : i32
        %sub3A_101 = arith.subi %add3A_67, %sub3A : i32
        %mul3A_102 = arith.constant 96 : i32
        %mul3A_103 = arith.muli %sub3A_101, %mul3A_102 : i32
        %dma_wait3A_104 = tpu.memref_slice %arg10[%mul3A_103] : memref<42336xi32, #tpu.memory_space<vmem>> -> memref<96xi32, #tpu.memory_space<vmem>>
        %dma_wait3A_105 = arith.constant 0 : i32
        %dma_wait3A_106 = arith.constant 0 : i32
        %dma_wait3A_107 = tpu.memref_slice %arg2[%dma_wait3A_105, %dma_wait3A_106] : memref<50001x128xf32, #tpu.memory_space<hbm>> -> memref<50001x128xf32, #tpu.memory_space<hbm>>
        tpu.wait_indirect_dma semaphore(%arg14 : memref<!tpu.dma_semaphore, #tpu.memory_space<semaphore_mem>>) src(%dma_wait3A_107 : memref<50001x128xf32, #tpu.memory_space<hbm>>) dst(%arg12 : memref<96x128xf32, #tpu.memory_space<vmem>>)
        %mul3A_108 = arith.constant 96 : i32
        %mul3A_109 = arith.muli %sub3A_101, %mul3A_108 : i32
        %add3A_110 = arith.addi %mul3A_2, %mul3A_109 : i32
        %dma_start3A_111 = arith.constant 0 : i32
        %dma_start3A_112 = tpu.memref_slice %arg5[%add3A_110, %dma_start3A_111] : memref<1354752x128xf32, #tpu.memory_space<hbm>> -> memref<96x128xf32, #tpu.memory_space<hbm>>
        %dma_start3A_113 = arith.constant 0 : i32
        %dma_start3A_114 = tpu.memref_slice %arg5[%add3A_110, %dma_start3A_113] : memref<1354752x128xf32, #tpu.memory_space<hbm>> -> memref<96x128xf32, #tpu.memory_space<hbm>>
        tpu.enqueue_dma source(%arg12 : memref<96x128xf32, #tpu.memory_space<vmem>>) target(%dma_start3A_114 : memref<96x128xf32, #tpu.memory_space<hbm>>) target_semaphore(%arg16 : memref<!tpu.dma_semaphore, #tpu.memory_space<semaphore_mem>>)
      } else {
      }
      %add3A_83 = arith.constant 1 : i32
      %add3A_84 = arith.addi %add3A_65, %add3A_83 : i32
      %ge3A_85 = arith.constant 2 : i32
      %ge3A_86 = arith.cmpi sge, %add3A_84, %ge3A_85 : i32
      %convert_element_type3A_87 = arith.extui %ge3A_86 : i1 to i32
      %cond3A_88 = arith.constant 0 : i32
      %cond3A_89 = arith.cmpi ne, %convert_element_type3A_87, %cond3A_88 : i32
      scf.if %cond3A_89 {
        %sub3A = arith.constant 2 : i32
        %sub3A_101 = arith.subi %add3A_84, %sub3A : i32
        %mul3A_102 = arith.constant 96 : i32
        %mul3A_103 = arith.muli %sub3A_101, %mul3A_102 : i32
        %add3A_104 = arith.addi %mul3A_2, %mul3A_103 : i32
        %dma_wait3A_105 = arith.constant 0 : i32
        %dma_wait3A_106 = tpu.memref_slice %arg5[%add3A_104, %dma_wait3A_105] : memref<1354752x128xf32, #tpu.memory_space<hbm>> -> memref<96x128xf32, #tpu.memory_space<hbm>>
        %dma_wait3A_107 = arith.constant 0 : i32
        %dma_wait3A_108 = tpu.memref_slice %arg5[%add3A_104, %dma_wait3A_107] : memref<1354752x128xf32, #tpu.memory_space<hbm>> -> memref<96x128xf32, #tpu.memory_space<hbm>>
        tpu.wait_dma2 semaphore(%arg16 : memref<!tpu.dma_semaphore, #tpu.memory_space<semaphore_mem>>) src(%arg12 : memref<96x128xf32, #tpu.memory_space<vmem>>) dst(%dma_wait3A_108 : memref<96x128xf32, #tpu.memory_space<hbm>>)
      } else {
      }
      %mul3A_90 = arith.constant 96 : i32
      %mul3A_91 = arith.muli %add3A_84, %mul3A_90 : i32
      %dma_start3A_92 = tpu.memref_slice %arg10[%mul3A_91] : memref<42336xi32, #tpu.memory_space<vmem>> -> memref<96xi32, #tpu.memory_space<vmem>>
      %dma_start3A_93 = arith.constant 0 : i32
      %dma_start3A_94 = arith.constant 0 : i32
      %dma_start3A_95 = tpu.memref_slice %arg2[%dma_start3A_93, %dma_start3A_94] : memref<50001x128xf32, #tpu.memory_space<hbm>> -> memref<50001x128xf32, #tpu.memory_space<hbm>>
      tpu.enqueue_indirect_dma source(%dma_start3A_95 : memref<50001x128xf32, #tpu.memory_space<hbm>>) target(%arg12 : memref<96x128xf32, #tpu.memory_space<vmem>>) offsets(%dma_start3A_92 : memref<96xi32, #tpu.memory_space<vmem>>) semaphore(%arg14 : memref<!tpu.dma_semaphore, #tpu.memory_space<semaphore_mem>>)
      %ge3A_96 = arith.constant 1 : i32
      %ge3A_97 = arith.cmpi sge, %add3A_84, %ge3A_96 : i32
      %convert_element_type3A_98 = arith.extui %ge3A_97 : i1 to i32
      %cond3A_99 = arith.constant 0 : i32
      %cond3A_100 = arith.cmpi ne, %convert_element_type3A_98, %cond3A_99 : i32
      scf.if %cond3A_100 {
        %sub3A = arith.constant 1 : i32
        %sub3A_101 = arith.subi %add3A_84, %sub3A : i32
        %mul3A_102 = arith.constant 96 : i32
        %mul3A_103 = arith.muli %sub3A_101, %mul3A_102 : i32
        %dma_wait3A_104 = tpu.memref_slice %arg10[%mul3A_103] : memref<42336xi32, #tpu.memory_space<vmem>> -> memref<96xi32, #tpu.memory_space<vmem>>
        %dma_wait3A_105 = arith.constant 0 : i32
        %dma_wait3A_106 = arith.constant 0 : i32
        %dma_wait3A_107 = tpu.memref_slice %arg2[%dma_wait3A_105, %dma_wait3A_106] : memref<50001x128xf32, #tpu.memory_space<hbm>> -> memref<50001x128xf32, #tpu.memory_space<hbm>>
        tpu.wait_indirect_dma semaphore(%arg13 : memref<!tpu.dma_semaphore, #tpu.memory_space<semaphore_mem>>) src(%dma_wait3A_107 : memref<50001x128xf32, #tpu.memory_space<hbm>>) dst(%arg11 : memref<96x128xf32, #tpu.memory_space<vmem>>)
        %mul3A_108 = arith.constant 96 : i32
        %mul3A_109 = arith.muli %sub3A_101, %mul3A_108 : i32
        %add3A_110 = arith.addi %mul3A_2, %mul3A_109 : i32
        %dma_start3A_111 = arith.constant 0 : i32
        %dma_start3A_112 = tpu.memref_slice %arg5[%add3A_110, %dma_start3A_111] : memref<1354752x128xf32, #tpu.memory_space<hbm>> -> memref<96x128xf32, #tpu.memory_space<hbm>>
        %dma_start3A_113 = arith.constant 0 : i32
        %dma_start3A_114 = tpu.memref_slice %arg5[%add3A_110, %dma_start3A_113] : memref<1354752x128xf32, #tpu.memory_space<hbm>> -> memref<96x128xf32, #tpu.memory_space<hbm>>
        tpu.enqueue_dma source(%arg11 : memref<96x128xf32, #tpu.memory_space<vmem>>) target(%dma_start3A_114 : memref<96x128xf32, #tpu.memory_space<hbm>>) target_semaphore(%arg15 : memref<!tpu.dma_semaphore, #tpu.memory_space<semaphore_mem>>)
      } else {
      }
    }
    %scan3A_17 = arith.constant 220 : i32
    %add3A_18 = arith.constant 42048 : i32
    %add3A_19 = arith.addi %mul3A_2, %add3A_18 : i32
    %dma_wait3A = arith.constant 0 : i32
    %dma_wait3A_20 = tpu.memref_slice %arg5[%add3A_19, %dma_wait3A] : memref<1354752x128xf32, #tpu.memory_space<hbm>> -> memref<96x128xf32, #tpu.memory_space<hbm>>
    %dma_wait3A_21 = arith.constant 0 : i32
    %dma_wait3A_22 = tpu.memref_slice %arg5[%add3A_19, %dma_wait3A_21] : memref<1354752x128xf32, #tpu.memory_space<hbm>> -> memref<96x128xf32, #tpu.memory_space<hbm>>
    tpu.wait_dma2 semaphore(%arg15 : memref<!tpu.dma_semaphore, #tpu.memory_space<semaphore_mem>>) src(%arg11 : memref<96x128xf32, #tpu.memory_space<vmem>>) dst(%dma_wait3A_22 : memref<96x128xf32, #tpu.memory_space<hbm>>)
    %dma_start3A = arith.constant 42240 : i32
    %dma_start3A_23 = tpu.memref_slice %arg10[%dma_start3A] : memref<42336xi32, #tpu.memory_space<vmem>> -> memref<96xi32, #tpu.memory_space<vmem>>
    %dma_start3A_24 = arith.constant 0 : i32
    %dma_start3A_25 = arith.constant 0 : i32
    %dma_start3A_26 = tpu.memref_slice %arg2[%dma_start3A_24, %dma_start3A_25] : memref<50001x128xf32, #tpu.memory_space<hbm>> -> memref<50001x128xf32, #tpu.memory_space<hbm>>
    tpu.enqueue_indirect_dma source(%dma_start3A_26 : memref<50001x128xf32, #tpu.memory_space<hbm>>) target(%arg11 : memref<96x128xf32, #tpu.memory_space<vmem>>) offsets(%dma_start3A_23 : memref<96xi32, #tpu.memory_space<vmem>>) semaphore(%arg13 : memref<!tpu.dma_semaphore, #tpu.memory_space<semaphore_mem>>)
    %dma_wait3A_27 = arith.constant 42144 : i32
    %dma_wait3A_28 = tpu.memref_slice %arg10[%dma_wait3A_27] : memref<42336xi32, #tpu.memory_space<vmem>> -> memref<96xi32, #tpu.memory_space<vmem>>
    %dma_wait3A_29 = arith.constant 0 : i32
    %dma_wait3A_30 = arith.constant 0 : i32
    %dma_wait3A_31 = tpu.memref_slice %arg2[%dma_wait3A_29, %dma_wait3A_30] : memref<50001x128xf32, #tpu.memory_space<hbm>> -> memref<50001x128xf32, #tpu.memory_space<hbm>>
    tpu.wait_indirect_dma semaphore(%arg14 : memref<!tpu.dma_semaphore, #tpu.memory_space<semaphore_mem>>) src(%dma_wait3A_31 : memref<50001x128xf32, #tpu.memory_space<hbm>>) dst(%arg12 : memref<96x128xf32, #tpu.memory_space<vmem>>)
    %add3A_32 = arith.constant 42144 : i32
    %add3A_33 = arith.addi %mul3A_2, %add3A_32 : i32
    %dma_start3A_34 = arith.constant 0 : i32
    %dma_start3A_35 = tpu.memref_slice %arg5[%add3A_33, %dma_start3A_34] : memref<1354752x128xf32, #tpu.memory_space<hbm>> -> memref<96x128xf32, #tpu.memory_space<hbm>>
    %dma_start3A_36 = arith.constant 0 : i32
    %dma_start3A_37 = tpu.memref_slice %arg5[%add3A_33, %dma_start3A_36] : memref<1354752x128xf32, #tpu.memory_space<hbm>> -> memref<96x128xf32, #tpu.memory_space<hbm>>
    tpu.enqueue_dma source(%arg12 : memref<96x128xf32, #tpu.memory_space<vmem>>) target(%dma_start3A_37 : memref<96x128xf32, #tpu.memory_space<hbm>>) target_semaphore(%arg16 : memref<!tpu.dma_semaphore, #tpu.memory_space<semaphore_mem>>)
    %dma_wait3A_38 = arith.constant 42240 : i32
    %dma_wait3A_39 = tpu.memref_slice %arg10[%dma_wait3A_38] : memref<42336xi32, #tpu.memory_space<vmem>> -> memref<96xi32, #tpu.memory_space<vmem>>
    %dma_wait3A_40 = arith.constant 0 : i32
    %dma_wait3A_41 = arith.constant 0 : i32
    %dma_wait3A_42 = tpu.memref_slice %arg2[%dma_wait3A_40, %dma_wait3A_41] : memref<50001x128xf32, #tpu.memory_space<hbm>> -> memref<50001x128xf32, #tpu.memory_space<hbm>>
    tpu.wait_indirect_dma semaphore(%arg13 : memref<!tpu.dma_semaphore, #tpu.memory_space<semaphore_mem>>) src(%dma_wait3A_42 : memref<50001x128xf32, #tpu.memory_space<hbm>>) dst(%arg11 : memref<96x128xf32, #tpu.memory_space<vmem>>)
    %add3A_43 = arith.constant 42240 : i32
    %add3A_44 = arith.addi %mul3A_2, %add3A_43 : i32
    %dma_start3A_45 = arith.constant 0 : i32
    %dma_start3A_46 = tpu.memref_slice %arg5[%add3A_44, %dma_start3A_45] : memref<1354752x128xf32, #tpu.memory_space<hbm>> -> memref<96x128xf32, #tpu.memory_space<hbm>>
    %dma_start3A_47 = arith.constant 0 : i32
    %dma_start3A_48 = tpu.memref_slice %arg5[%add3A_44, %dma_start3A_47] : memref<1354752x128xf32, #tpu.memory_space<hbm>> -> memref<96x128xf32, #tpu.memory_space<hbm>>
    tpu.enqueue_dma source(%arg11 : memref<96x128xf32, #tpu.memory_space<vmem>>) target(%dma_start3A_48 : memref<96x128xf32, #tpu.memory_space<hbm>>) target_semaphore(%arg15 : memref<!tpu.dma_semaphore, #tpu.memory_space<semaphore_mem>>)
    %add3A_49 = arith.constant 42144 : i32
    %add3A_50 = arith.addi %mul3A_2, %add3A_49 : i32
    %dma_wait3A_51 = arith.constant 0 : i32
    %dma_wait3A_52 = tpu.memref_slice %arg5[%add3A_50, %dma_wait3A_51] : memref<1354752x128xf32, #tpu.memory_space<hbm>> -> memref<96x128xf32, #tpu.memory_space<hbm>>
    %dma_wait3A_53 = arith.constant 0 : i32
    %dma_wait3A_54 = tpu.memref_slice %arg5[%add3A_50, %dma_wait3A_53] : memref<1354752x128xf32, #tpu.memory_space<hbm>> -> memref<96x128xf32, #tpu.memory_space<hbm>>
    tpu.wait_dma2 semaphore(%arg16 : memref<!tpu.dma_semaphore, #tpu.memory_space<semaphore_mem>>) src(%arg12 : memref<96x128xf32, #tpu.memory_space<vmem>>) dst(%dma_wait3A_54 : memref<96x128xf32, #tpu.memory_space<hbm>>)
    %add3A_55 = arith.constant 42240 : i32
    %add3A_56 = arith.addi %mul3A_2, %add3A_55 : i32
    %dma_wait3A_57 = arith.constant 0 : i32
    %dma_wait3A_58 = tpu.memref_slice %arg5[%add3A_56, %dma_wait3A_57] : memref<1354752x128xf32, #tpu.memory_space<hbm>> -> memref<96x128xf32, #tpu.memory_space<hbm>>
    %dma_wait3A_59 = arith.constant 0 : i32
    %dma_wait3A_60 = tpu.memref_slice %arg5[%add3A_56, %dma_wait3A_59] : memref<1354752x128xf32, #tpu.memory_space<hbm>> -> memref<96x128xf32, #tpu.memory_space<hbm>>
    tpu.wait_dma2 semaphore(%arg15 : memref<!tpu.dma_semaphore, #tpu.memory_space<semaphore_mem>>) src(%arg11 : memref<96x128xf32, #tpu.memory_space<vmem>>) dst(%dma_wait3A_60 : memref<96x128xf32, #tpu.memory_space<hbm>>)
    return
  }
}

module attributes {stable_mosaic.version = 14 : i64} {
  func.func @body(%arg0: i32, %arg1: memref<27x448x128xf32, #tpu.memory_space<vmem>>, %arg2: memref<27x128x128xf32, #tpu.memory_space<vmem>>, %arg3: memref<1x128xf32, #tpu.memory_space<vmem>>, %arg4: memref<448x128xf32, #tpu.memory_space<vmem>>) attributes {dimension_semantics = [#tpu.dimension_semantics<arbitrary>], iteration_bounds = array<i64: 112>, scalar_prefetch = 0 : i64, scratch_operands = 0 : i64, tpu.core_type = #tpu.core_type<tc>, window_params = [{transform_indices = @transform_0, window_bounds = array<i64: 27, 448, 128>}, {pipeline_mode = #tpu.pipeline_mode<synchronous>, transform_indices = @transform_1, window_bounds = array<i64: 27, 128, 128>}, {pipeline_mode = #tpu.pipeline_mode<synchronous>, transform_indices = @transform_2, window_bounds = array<i64: 1, 128>}, {transform_indices = @transform_3, window_bounds = array<i64: 448, 128>}]} {
    %get3A = arith.constant 0 : index
    %get3A_0 = arith.constant 0 : index
    %get3A_1 = arith.constant 0 : index
    %get3A_2 = vector.load %arg1[%get3A, %get3A_0, %get3A_1] : memref<27x448x128xf32, #tpu.memory_space<vmem>>, vector<1x448x128xf32>
    %get3A_3 = vector.shape_cast %get3A_2 : vector<1x448x128xf32> to vector<448x128xf32>
    %get3A_4 = arith.constant 0 : index
    %get3A_5 = arith.constant 0 : index
    %get3A_6 = arith.constant 0 : index
    %get3A_7 = vector.load %arg2[%get3A_4, %get3A_5, %get3A_6] : memref<27x128x128xf32, #tpu.memory_space<vmem>>, vector<1x128x128xf32>
    %get3A_8 = vector.shape_cast %get3A_7 : vector<1x128x128xf32> to vector<128x128xf32>
    %dot_general3A = arith.constant dense<0.000000e+00> : vector<448x128xf32>
    %dot_general3A_9 = tpu.matmul %get3A_3, %get3A_8, %dot_general3A {dimension_numbers = #tpu.dot_dimension_numbers<[1], [0], [0], [1], [0, 0, 1, 1], [], []>, transpose_lhs_hint = false} : vector<448x128xf32>, vector<128x128xf32>, vector<448x128xf32> -> vector<448x128xf32>
    %get3A_10 = arith.constant 1 : index
    %get3A_11 = arith.constant 0 : index
    %get3A_12 = arith.constant 0 : index
    %get3A_13 = vector.load %arg1[%get3A_10, %get3A_11, %get3A_12] : memref<27x448x128xf32, #tpu.memory_space<vmem>>, vector<1x448x128xf32>
    %get3A_14 = vector.shape_cast %get3A_13 : vector<1x448x128xf32> to vector<448x128xf32>
    %get3A_15 = arith.constant 1 : index
    %get3A_16 = arith.constant 0 : index
    %get3A_17 = arith.constant 0 : index
    %get3A_18 = vector.load %arg2[%get3A_15, %get3A_16, %get3A_17] : memref<27x128x128xf32, #tpu.memory_space<vmem>>, vector<1x128x128xf32>
    %get3A_19 = vector.shape_cast %get3A_18 : vector<1x128x128xf32> to vector<128x128xf32>
    %dot_general3A_20 = arith.constant dense<0.000000e+00> : vector<448x128xf32>
    %dot_general3A_21 = tpu.matmul %get3A_14, %get3A_19, %dot_general3A_20 {dimension_numbers = #tpu.dot_dimension_numbers<[1], [0], [0], [1], [0, 0, 1, 1], [], []>, transpose_lhs_hint = false} : vector<448x128xf32>, vector<128x128xf32>, vector<448x128xf32> -> vector<448x128xf32>
    %add3A = arith.addf %dot_general3A_9, %dot_general3A_21 : vector<448x128xf32>
    %get3A_22 = arith.constant 2 : index
    %get3A_23 = arith.constant 0 : index
    %get3A_24 = arith.constant 0 : index
    %get3A_25 = vector.load %arg1[%get3A_22, %get3A_23, %get3A_24] : memref<27x448x128xf32, #tpu.memory_space<vmem>>, vector<1x448x128xf32>
    %get3A_26 = vector.shape_cast %get3A_25 : vector<1x448x128xf32> to vector<448x128xf32>
    %get3A_27 = arith.constant 2 : index
    %get3A_28 = arith.constant 0 : index
    %get3A_29 = arith.constant 0 : index
    %get3A_30 = vector.load %arg2[%get3A_27, %get3A_28, %get3A_29] : memref<27x128x128xf32, #tpu.memory_space<vmem>>, vector<1x128x128xf32>
    %get3A_31 = vector.shape_cast %get3A_30 : vector<1x128x128xf32> to vector<128x128xf32>
    %dot_general3A_32 = arith.constant dense<0.000000e+00> : vector<448x128xf32>
    %dot_general3A_33 = tpu.matmul %get3A_26, %get3A_31, %dot_general3A_32 {dimension_numbers = #tpu.dot_dimension_numbers<[1], [0], [0], [1], [0, 0, 1, 1], [], []>, transpose_lhs_hint = false} : vector<448x128xf32>, vector<128x128xf32>, vector<448x128xf32> -> vector<448x128xf32>
    %add3A_34 = arith.addf %add3A, %dot_general3A_33 : vector<448x128xf32>
    %get3A_35 = arith.constant 3 : index
    %get3A_36 = arith.constant 0 : index
    %get3A_37 = arith.constant 0 : index
    %get3A_38 = vector.load %arg1[%get3A_35, %get3A_36, %get3A_37] : memref<27x448x128xf32, #tpu.memory_space<vmem>>, vector<1x448x128xf32>
    %get3A_39 = vector.shape_cast %get3A_38 : vector<1x448x128xf32> to vector<448x128xf32>
    %get3A_40 = arith.constant 3 : index
    %get3A_41 = arith.constant 0 : index
    %get3A_42 = arith.constant 0 : index
    %get3A_43 = vector.load %arg2[%get3A_40, %get3A_41, %get3A_42] : memref<27x128x128xf32, #tpu.memory_space<vmem>>, vector<1x128x128xf32>
    %get3A_44 = vector.shape_cast %get3A_43 : vector<1x128x128xf32> to vector<128x128xf32>
    %dot_general3A_45 = arith.constant dense<0.000000e+00> : vector<448x128xf32>
    %dot_general3A_46 = tpu.matmul %get3A_39, %get3A_44, %dot_general3A_45 {dimension_numbers = #tpu.dot_dimension_numbers<[1], [0], [0], [1], [0, 0, 1, 1], [], []>, transpose_lhs_hint = false} : vector<448x128xf32>, vector<128x128xf32>, vector<448x128xf32> -> vector<448x128xf32>
    %add3A_47 = arith.addf %add3A_34, %dot_general3A_46 : vector<448x128xf32>
    %get3A_48 = arith.constant 4 : index
    %get3A_49 = arith.constant 0 : index
    %get3A_50 = arith.constant 0 : index
    %get3A_51 = vector.load %arg1[%get3A_48, %get3A_49, %get3A_50] : memref<27x448x128xf32, #tpu.memory_space<vmem>>, vector<1x448x128xf32>
    %get3A_52 = vector.shape_cast %get3A_51 : vector<1x448x128xf32> to vector<448x128xf32>
    %get3A_53 = arith.constant 4 : index
    %get3A_54 = arith.constant 0 : index
    %get3A_55 = arith.constant 0 : index
    %get3A_56 = vector.load %arg2[%get3A_53, %get3A_54, %get3A_55] : memref<27x128x128xf32, #tpu.memory_space<vmem>>, vector<1x128x128xf32>
    %get3A_57 = vector.shape_cast %get3A_56 : vector<1x128x128xf32> to vector<128x128xf32>
    %dot_general3A_58 = arith.constant dense<0.000000e+00> : vector<448x128xf32>
    %dot_general3A_59 = tpu.matmul %get3A_52, %get3A_57, %dot_general3A_58 {dimension_numbers = #tpu.dot_dimension_numbers<[1], [0], [0], [1], [0, 0, 1, 1], [], []>, transpose_lhs_hint = false} : vector<448x128xf32>, vector<128x128xf32>, vector<448x128xf32> -> vector<448x128xf32>
    %add3A_60 = arith.addf %add3A_47, %dot_general3A_59 : vector<448x128xf32>
    %get3A_61 = arith.constant 5 : index
    %get3A_62 = arith.constant 0 : index
    %get3A_63 = arith.constant 0 : index
    %get3A_64 = vector.load %arg1[%get3A_61, %get3A_62, %get3A_63] : memref<27x448x128xf32, #tpu.memory_space<vmem>>, vector<1x448x128xf32>
    %get3A_65 = vector.shape_cast %get3A_64 : vector<1x448x128xf32> to vector<448x128xf32>
    %get3A_66 = arith.constant 5 : index
    %get3A_67 = arith.constant 0 : index
    %get3A_68 = arith.constant 0 : index
    %get3A_69 = vector.load %arg2[%get3A_66, %get3A_67, %get3A_68] : memref<27x128x128xf32, #tpu.memory_space<vmem>>, vector<1x128x128xf32>
    %get3A_70 = vector.shape_cast %get3A_69 : vector<1x128x128xf32> to vector<128x128xf32>
    %dot_general3A_71 = arith.constant dense<0.000000e+00> : vector<448x128xf32>
    %dot_general3A_72 = tpu.matmul %get3A_65, %get3A_70, %dot_general3A_71 {dimension_numbers = #tpu.dot_dimension_numbers<[1], [0], [0], [1], [0, 0, 1, 1], [], []>, transpose_lhs_hint = false} : vector<448x128xf32>, vector<128x128xf32>, vector<448x128xf32> -> vector<448x128xf32>
    %add3A_73 = arith.addf %add3A_60, %dot_general3A_72 : vector<448x128xf32>
    %get3A_74 = arith.constant 6 : index
    %get3A_75 = arith.constant 0 : index
    %get3A_76 = arith.constant 0 : index
    %get3A_77 = vector.load %arg1[%get3A_74, %get3A_75, %get3A_76] : memref<27x448x128xf32, #tpu.memory_space<vmem>>, vector<1x448x128xf32>
    %get3A_78 = vector.shape_cast %get3A_77 : vector<1x448x128xf32> to vector<448x128xf32>
    %get3A_79 = arith.constant 6 : index
    %get3A_80 = arith.constant 0 : index
    %get3A_81 = arith.constant 0 : index
    %get3A_82 = vector.load %arg2[%get3A_79, %get3A_80, %get3A_81] : memref<27x128x128xf32, #tpu.memory_space<vmem>>, vector<1x128x128xf32>
    %get3A_83 = vector.shape_cast %get3A_82 : vector<1x128x128xf32> to vector<128x128xf32>
    %dot_general3A_84 = arith.constant dense<0.000000e+00> : vector<448x128xf32>
    %dot_general3A_85 = tpu.matmul %get3A_78, %get3A_83, %dot_general3A_84 {dimension_numbers = #tpu.dot_dimension_numbers<[1], [0], [0], [1], [0, 0, 1, 1], [], []>, transpose_lhs_hint = false} : vector<448x128xf32>, vector<128x128xf32>, vector<448x128xf32> -> vector<448x128xf32>
    %add3A_86 = arith.addf %add3A_73, %dot_general3A_85 : vector<448x128xf32>
    %get3A_87 = arith.constant 7 : index
    %get3A_88 = arith.constant 0 : index
    %get3A_89 = arith.constant 0 : index
    %get3A_90 = vector.load %arg1[%get3A_87, %get3A_88, %get3A_89] : memref<27x448x128xf32, #tpu.memory_space<vmem>>, vector<1x448x128xf32>
    %get3A_91 = vector.shape_cast %get3A_90 : vector<1x448x128xf32> to vector<448x128xf32>
    %get3A_92 = arith.constant 7 : index
    %get3A_93 = arith.constant 0 : index
    %get3A_94 = arith.constant 0 : index
    %get3A_95 = vector.load %arg2[%get3A_92, %get3A_93, %get3A_94] : memref<27x128x128xf32, #tpu.memory_space<vmem>>, vector<1x128x128xf32>
    %get3A_96 = vector.shape_cast %get3A_95 : vector<1x128x128xf32> to vector<128x128xf32>
    %dot_general3A_97 = arith.constant dense<0.000000e+00> : vector<448x128xf32>
    %dot_general3A_98 = tpu.matmul %get3A_91, %get3A_96, %dot_general3A_97 {dimension_numbers = #tpu.dot_dimension_numbers<[1], [0], [0], [1], [0, 0, 1, 1], [], []>, transpose_lhs_hint = false} : vector<448x128xf32>, vector<128x128xf32>, vector<448x128xf32> -> vector<448x128xf32>
    %add3A_99 = arith.addf %add3A_86, %dot_general3A_98 : vector<448x128xf32>
    %get3A_100 = arith.constant 8 : index
    %get3A_101 = arith.constant 0 : index
    %get3A_102 = arith.constant 0 : index
    %get3A_103 = vector.load %arg1[%get3A_100, %get3A_101, %get3A_102] : memref<27x448x128xf32, #tpu.memory_space<vmem>>, vector<1x448x128xf32>
    %get3A_104 = vector.shape_cast %get3A_103 : vector<1x448x128xf32> to vector<448x128xf32>
    %get3A_105 = arith.constant 8 : index
    %get3A_106 = arith.constant 0 : index
    %get3A_107 = arith.constant 0 : index
    %get3A_108 = vector.load %arg2[%get3A_105, %get3A_106, %get3A_107] : memref<27x128x128xf32, #tpu.memory_space<vmem>>, vector<1x128x128xf32>
    %get3A_109 = vector.shape_cast %get3A_108 : vector<1x128x128xf32> to vector<128x128xf32>
    %dot_general3A_110 = arith.constant dense<0.000000e+00> : vector<448x128xf32>
    %dot_general3A_111 = tpu.matmul %get3A_104, %get3A_109, %dot_general3A_110 {dimension_numbers = #tpu.dot_dimension_numbers<[1], [0], [0], [1], [0, 0, 1, 1], [], []>, transpose_lhs_hint = false} : vector<448x128xf32>, vector<128x128xf32>, vector<448x128xf32> -> vector<448x128xf32>
    %add3A_112 = arith.addf %add3A_99, %dot_general3A_111 : vector<448x128xf32>
    %get3A_113 = arith.constant 9 : index
    %get3A_114 = arith.constant 0 : index
    %get3A_115 = arith.constant 0 : index
    %get3A_116 = vector.load %arg1[%get3A_113, %get3A_114, %get3A_115] : memref<27x448x128xf32, #tpu.memory_space<vmem>>, vector<1x448x128xf32>
    %get3A_117 = vector.shape_cast %get3A_116 : vector<1x448x128xf32> to vector<448x128xf32>
    %get3A_118 = arith.constant 9 : index
    %get3A_119 = arith.constant 0 : index
    %get3A_120 = arith.constant 0 : index
    %get3A_121 = vector.load %arg2[%get3A_118, %get3A_119, %get3A_120] : memref<27x128x128xf32, #tpu.memory_space<vmem>>, vector<1x128x128xf32>
    %get3A_122 = vector.shape_cast %get3A_121 : vector<1x128x128xf32> to vector<128x128xf32>
    %dot_general3A_123 = arith.constant dense<0.000000e+00> : vector<448x128xf32>
    %dot_general3A_124 = tpu.matmul %get3A_117, %get3A_122, %dot_general3A_123 {dimension_numbers = #tpu.dot_dimension_numbers<[1], [0], [0], [1], [0, 0, 1, 1], [], []>, transpose_lhs_hint = false} : vector<448x128xf32>, vector<128x128xf32>, vector<448x128xf32> -> vector<448x128xf32>
    %add3A_125 = arith.addf %add3A_112, %dot_general3A_124 : vector<448x128xf32>
    %get3A_126 = arith.constant 10 : index
    %get3A_127 = arith.constant 0 : index
    %get3A_128 = arith.constant 0 : index
    %get3A_129 = vector.load %arg1[%get3A_126, %get3A_127, %get3A_128] : memref<27x448x128xf32, #tpu.memory_space<vmem>>, vector<1x448x128xf32>
    %get3A_130 = vector.shape_cast %get3A_129 : vector<1x448x128xf32> to vector<448x128xf32>
    %get3A_131 = arith.constant 10 : index
    %get3A_132 = arith.constant 0 : index
    %get3A_133 = arith.constant 0 : index
    %get3A_134 = vector.load %arg2[%get3A_131, %get3A_132, %get3A_133] : memref<27x128x128xf32, #tpu.memory_space<vmem>>, vector<1x128x128xf32>
    %get3A_135 = vector.shape_cast %get3A_134 : vector<1x128x128xf32> to vector<128x128xf32>
    %dot_general3A_136 = arith.constant dense<0.000000e+00> : vector<448x128xf32>
    %dot_general3A_137 = tpu.matmul %get3A_130, %get3A_135, %dot_general3A_136 {dimension_numbers = #tpu.dot_dimension_numbers<[1], [0], [0], [1], [0, 0, 1, 1], [], []>, transpose_lhs_hint = false} : vector<448x128xf32>, vector<128x128xf32>, vector<448x128xf32> -> vector<448x128xf32>
    %add3A_138 = arith.addf %add3A_125, %dot_general3A_137 : vector<448x128xf32>
    %get3A_139 = arith.constant 11 : index
    %get3A_140 = arith.constant 0 : index
    %get3A_141 = arith.constant 0 : index
    %get3A_142 = vector.load %arg1[%get3A_139, %get3A_140, %get3A_141] : memref<27x448x128xf32, #tpu.memory_space<vmem>>, vector<1x448x128xf32>
    %get3A_143 = vector.shape_cast %get3A_142 : vector<1x448x128xf32> to vector<448x128xf32>
    %get3A_144 = arith.constant 11 : index
    %get3A_145 = arith.constant 0 : index
    %get3A_146 = arith.constant 0 : index
    %get3A_147 = vector.load %arg2[%get3A_144, %get3A_145, %get3A_146] : memref<27x128x128xf32, #tpu.memory_space<vmem>>, vector<1x128x128xf32>
    %get3A_148 = vector.shape_cast %get3A_147 : vector<1x128x128xf32> to vector<128x128xf32>
    %dot_general3A_149 = arith.constant dense<0.000000e+00> : vector<448x128xf32>
    %dot_general3A_150 = tpu.matmul %get3A_143, %get3A_148, %dot_general3A_149 {dimension_numbers = #tpu.dot_dimension_numbers<[1], [0], [0], [1], [0, 0, 1, 1], [], []>, transpose_lhs_hint = false} : vector<448x128xf32>, vector<128x128xf32>, vector<448x128xf32> -> vector<448x128xf32>
    %add3A_151 = arith.addf %add3A_138, %dot_general3A_150 : vector<448x128xf32>
    %get3A_152 = arith.constant 12 : index
    %get3A_153 = arith.constant 0 : index
    %get3A_154 = arith.constant 0 : index
    %get3A_155 = vector.load %arg1[%get3A_152, %get3A_153, %get3A_154] : memref<27x448x128xf32, #tpu.memory_space<vmem>>, vector<1x448x128xf32>
    %get3A_156 = vector.shape_cast %get3A_155 : vector<1x448x128xf32> to vector<448x128xf32>
    %get3A_157 = arith.constant 12 : index
    %get3A_158 = arith.constant 0 : index
    %get3A_159 = arith.constant 0 : index
    %get3A_160 = vector.load %arg2[%get3A_157, %get3A_158, %get3A_159] : memref<27x128x128xf32, #tpu.memory_space<vmem>>, vector<1x128x128xf32>
    %get3A_161 = vector.shape_cast %get3A_160 : vector<1x128x128xf32> to vector<128x128xf32>
    %dot_general3A_162 = arith.constant dense<0.000000e+00> : vector<448x128xf32>
    %dot_general3A_163 = tpu.matmul %get3A_156, %get3A_161, %dot_general3A_162 {dimension_numbers = #tpu.dot_dimension_numbers<[1], [0], [0], [1], [0, 0, 1, 1], [], []>, transpose_lhs_hint = false} : vector<448x128xf32>, vector<128x128xf32>, vector<448x128xf32> -> vector<448x128xf32>
    %add3A_164 = arith.addf %add3A_151, %dot_general3A_163 : vector<448x128xf32>
    %get3A_165 = arith.constant 13 : index
    %get3A_166 = arith.constant 0 : index
    %get3A_167 = arith.constant 0 : index
    %get3A_168 = vector.load %arg1[%get3A_165, %get3A_166, %get3A_167] : memref<27x448x128xf32, #tpu.memory_space<vmem>>, vector<1x448x128xf32>
    %get3A_169 = vector.shape_cast %get3A_168 : vector<1x448x128xf32> to vector<448x128xf32>
    %get3A_170 = arith.constant 13 : index
    %get3A_171 = arith.constant 0 : index
    %get3A_172 = arith.constant 0 : index
    %get3A_173 = vector.load %arg2[%get3A_170, %get3A_171, %get3A_172] : memref<27x128x128xf32, #tpu.memory_space<vmem>>, vector<1x128x128xf32>
    %get3A_174 = vector.shape_cast %get3A_173 : vector<1x128x128xf32> to vector<128x128xf32>
    %dot_general3A_175 = arith.constant dense<0.000000e+00> : vector<448x128xf32>
    %dot_general3A_176 = tpu.matmul %get3A_169, %get3A_174, %dot_general3A_175 {dimension_numbers = #tpu.dot_dimension_numbers<[1], [0], [0], [1], [0, 0, 1, 1], [], []>, transpose_lhs_hint = false} : vector<448x128xf32>, vector<128x128xf32>, vector<448x128xf32> -> vector<448x128xf32>
    %add3A_177 = arith.addf %add3A_164, %dot_general3A_176 : vector<448x128xf32>
    %get3A_178 = arith.constant 14 : index
    %get3A_179 = arith.constant 0 : index
    %get3A_180 = arith.constant 0 : index
    %get3A_181 = vector.load %arg1[%get3A_178, %get3A_179, %get3A_180] : memref<27x448x128xf32, #tpu.memory_space<vmem>>, vector<1x448x128xf32>
    %get3A_182 = vector.shape_cast %get3A_181 : vector<1x448x128xf32> to vector<448x128xf32>
    %get3A_183 = arith.constant 14 : index
    %get3A_184 = arith.constant 0 : index
    %get3A_185 = arith.constant 0 : index
    %get3A_186 = vector.load %arg2[%get3A_183, %get3A_184, %get3A_185] : memref<27x128x128xf32, #tpu.memory_space<vmem>>, vector<1x128x128xf32>
    %get3A_187 = vector.shape_cast %get3A_186 : vector<1x128x128xf32> to vector<128x128xf32>
    %dot_general3A_188 = arith.constant dense<0.000000e+00> : vector<448x128xf32>
    %dot_general3A_189 = tpu.matmul %get3A_182, %get3A_187, %dot_general3A_188 {dimension_numbers = #tpu.dot_dimension_numbers<[1], [0], [0], [1], [0, 0, 1, 1], [], []>, transpose_lhs_hint = false} : vector<448x128xf32>, vector<128x128xf32>, vector<448x128xf32> -> vector<448x128xf32>
    %add3A_190 = arith.addf %add3A_177, %dot_general3A_189 : vector<448x128xf32>
    %get3A_191 = arith.constant 15 : index
    %get3A_192 = arith.constant 0 : index
    %get3A_193 = arith.constant 0 : index
    %get3A_194 = vector.load %arg1[%get3A_191, %get3A_192, %get3A_193] : memref<27x448x128xf32, #tpu.memory_space<vmem>>, vector<1x448x128xf32>
    %get3A_195 = vector.shape_cast %get3A_194 : vector<1x448x128xf32> to vector<448x128xf32>
    %get3A_196 = arith.constant 15 : index
    %get3A_197 = arith.constant 0 : index
    %get3A_198 = arith.constant 0 : index
    %get3A_199 = vector.load %arg2[%get3A_196, %get3A_197, %get3A_198] : memref<27x128x128xf32, #tpu.memory_space<vmem>>, vector<1x128x128xf32>
    %get3A_200 = vector.shape_cast %get3A_199 : vector<1x128x128xf32> to vector<128x128xf32>
    %dot_general3A_201 = arith.constant dense<0.000000e+00> : vector<448x128xf32>
    %dot_general3A_202 = tpu.matmul %get3A_195, %get3A_200, %dot_general3A_201 {dimension_numbers = #tpu.dot_dimension_numbers<[1], [0], [0], [1], [0, 0, 1, 1], [], []>, transpose_lhs_hint = false} : vector<448x128xf32>, vector<128x128xf32>, vector<448x128xf32> -> vector<448x128xf32>
    %add3A_203 = arith.addf %add3A_190, %dot_general3A_202 : vector<448x128xf32>
    %get3A_204 = arith.constant 16 : index
    %get3A_205 = arith.constant 0 : index
    %get3A_206 = arith.constant 0 : index
    %get3A_207 = vector.load %arg1[%get3A_204, %get3A_205, %get3A_206] : memref<27x448x128xf32, #tpu.memory_space<vmem>>, vector<1x448x128xf32>
    %get3A_208 = vector.shape_cast %get3A_207 : vector<1x448x128xf32> to vector<448x128xf32>
    %get3A_209 = arith.constant 16 : index
    %get3A_210 = arith.constant 0 : index
    %get3A_211 = arith.constant 0 : index
    %get3A_212 = vector.load %arg2[%get3A_209, %get3A_210, %get3A_211] : memref<27x128x128xf32, #tpu.memory_space<vmem>>, vector<1x128x128xf32>
    %get3A_213 = vector.shape_cast %get3A_212 : vector<1x128x128xf32> to vector<128x128xf32>
    %dot_general3A_214 = arith.constant dense<0.000000e+00> : vector<448x128xf32>
    %dot_general3A_215 = tpu.matmul %get3A_208, %get3A_213, %dot_general3A_214 {dimension_numbers = #tpu.dot_dimension_numbers<[1], [0], [0], [1], [0, 0, 1, 1], [], []>, transpose_lhs_hint = false} : vector<448x128xf32>, vector<128x128xf32>, vector<448x128xf32> -> vector<448x128xf32>
    %add3A_216 = arith.addf %add3A_203, %dot_general3A_215 : vector<448x128xf32>
    %get3A_217 = arith.constant 17 : index
    %get3A_218 = arith.constant 0 : index
    %get3A_219 = arith.constant 0 : index
    %get3A_220 = vector.load %arg1[%get3A_217, %get3A_218, %get3A_219] : memref<27x448x128xf32, #tpu.memory_space<vmem>>, vector<1x448x128xf32>
    %get3A_221 = vector.shape_cast %get3A_220 : vector<1x448x128xf32> to vector<448x128xf32>
    %get3A_222 = arith.constant 17 : index
    %get3A_223 = arith.constant 0 : index
    %get3A_224 = arith.constant 0 : index
    %get3A_225 = vector.load %arg2[%get3A_222, %get3A_223, %get3A_224] : memref<27x128x128xf32, #tpu.memory_space<vmem>>, vector<1x128x128xf32>
    %get3A_226 = vector.shape_cast %get3A_225 : vector<1x128x128xf32> to vector<128x128xf32>
    %dot_general3A_227 = arith.constant dense<0.000000e+00> : vector<448x128xf32>
    %dot_general3A_228 = tpu.matmul %get3A_221, %get3A_226, %dot_general3A_227 {dimension_numbers = #tpu.dot_dimension_numbers<[1], [0], [0], [1], [0, 0, 1, 1], [], []>, transpose_lhs_hint = false} : vector<448x128xf32>, vector<128x128xf32>, vector<448x128xf32> -> vector<448x128xf32>
    %add3A_229 = arith.addf %add3A_216, %dot_general3A_228 : vector<448x128xf32>
    %get3A_230 = arith.constant 18 : index
    %get3A_231 = arith.constant 0 : index
    %get3A_232 = arith.constant 0 : index
    %get3A_233 = vector.load %arg1[%get3A_230, %get3A_231, %get3A_232] : memref<27x448x128xf32, #tpu.memory_space<vmem>>, vector<1x448x128xf32>
    %get3A_234 = vector.shape_cast %get3A_233 : vector<1x448x128xf32> to vector<448x128xf32>
    %get3A_235 = arith.constant 18 : index
    %get3A_236 = arith.constant 0 : index
    %get3A_237 = arith.constant 0 : index
    %get3A_238 = vector.load %arg2[%get3A_235, %get3A_236, %get3A_237] : memref<27x128x128xf32, #tpu.memory_space<vmem>>, vector<1x128x128xf32>
    %get3A_239 = vector.shape_cast %get3A_238 : vector<1x128x128xf32> to vector<128x128xf32>
    %dot_general3A_240 = arith.constant dense<0.000000e+00> : vector<448x128xf32>
    %dot_general3A_241 = tpu.matmul %get3A_234, %get3A_239, %dot_general3A_240 {dimension_numbers = #tpu.dot_dimension_numbers<[1], [0], [0], [1], [0, 0, 1, 1], [], []>, transpose_lhs_hint = false} : vector<448x128xf32>, vector<128x128xf32>, vector<448x128xf32> -> vector<448x128xf32>
    %add3A_242 = arith.addf %add3A_229, %dot_general3A_241 : vector<448x128xf32>
    %get3A_243 = arith.constant 19 : index
    %get3A_244 = arith.constant 0 : index
    %get3A_245 = arith.constant 0 : index
    %get3A_246 = vector.load %arg1[%get3A_243, %get3A_244, %get3A_245] : memref<27x448x128xf32, #tpu.memory_space<vmem>>, vector<1x448x128xf32>
    %get3A_247 = vector.shape_cast %get3A_246 : vector<1x448x128xf32> to vector<448x128xf32>
    %get3A_248 = arith.constant 19 : index
    %get3A_249 = arith.constant 0 : index
    %get3A_250 = arith.constant 0 : index
    %get3A_251 = vector.load %arg2[%get3A_248, %get3A_249, %get3A_250] : memref<27x128x128xf32, #tpu.memory_space<vmem>>, vector<1x128x128xf32>
    %get3A_252 = vector.shape_cast %get3A_251 : vector<1x128x128xf32> to vector<128x128xf32>
    %dot_general3A_253 = arith.constant dense<0.000000e+00> : vector<448x128xf32>
    %dot_general3A_254 = tpu.matmul %get3A_247, %get3A_252, %dot_general3A_253 {dimension_numbers = #tpu.dot_dimension_numbers<[1], [0], [0], [1], [0, 0, 1, 1], [], []>, transpose_lhs_hint = false} : vector<448x128xf32>, vector<128x128xf32>, vector<448x128xf32> -> vector<448x128xf32>
    %add3A_255 = arith.addf %add3A_242, %dot_general3A_254 : vector<448x128xf32>
    %get3A_256 = arith.constant 20 : index
    %get3A_257 = arith.constant 0 : index
    %get3A_258 = arith.constant 0 : index
    %get3A_259 = vector.load %arg1[%get3A_256, %get3A_257, %get3A_258] : memref<27x448x128xf32, #tpu.memory_space<vmem>>, vector<1x448x128xf32>
    %get3A_260 = vector.shape_cast %get3A_259 : vector<1x448x128xf32> to vector<448x128xf32>
    %get3A_261 = arith.constant 20 : index
    %get3A_262 = arith.constant 0 : index
    %get3A_263 = arith.constant 0 : index
    %get3A_264 = vector.load %arg2[%get3A_261, %get3A_262, %get3A_263] : memref<27x128x128xf32, #tpu.memory_space<vmem>>, vector<1x128x128xf32>
    %get3A_265 = vector.shape_cast %get3A_264 : vector<1x128x128xf32> to vector<128x128xf32>
    %dot_general3A_266 = arith.constant dense<0.000000e+00> : vector<448x128xf32>
    %dot_general3A_267 = tpu.matmul %get3A_260, %get3A_265, %dot_general3A_266 {dimension_numbers = #tpu.dot_dimension_numbers<[1], [0], [0], [1], [0, 0, 1, 1], [], []>, transpose_lhs_hint = false} : vector<448x128xf32>, vector<128x128xf32>, vector<448x128xf32> -> vector<448x128xf32>
    %add3A_268 = arith.addf %add3A_255, %dot_general3A_267 : vector<448x128xf32>
    %get3A_269 = arith.constant 21 : index
    %get3A_270 = arith.constant 0 : index
    %get3A_271 = arith.constant 0 : index
    %get3A_272 = vector.load %arg1[%get3A_269, %get3A_270, %get3A_271] : memref<27x448x128xf32, #tpu.memory_space<vmem>>, vector<1x448x128xf32>
    %get3A_273 = vector.shape_cast %get3A_272 : vector<1x448x128xf32> to vector<448x128xf32>
    %get3A_274 = arith.constant 21 : index
    %get3A_275 = arith.constant 0 : index
    %get3A_276 = arith.constant 0 : index
    %get3A_277 = vector.load %arg2[%get3A_274, %get3A_275, %get3A_276] : memref<27x128x128xf32, #tpu.memory_space<vmem>>, vector<1x128x128xf32>
    %get3A_278 = vector.shape_cast %get3A_277 : vector<1x128x128xf32> to vector<128x128xf32>
    %dot_general3A_279 = arith.constant dense<0.000000e+00> : vector<448x128xf32>
    %dot_general3A_280 = tpu.matmul %get3A_273, %get3A_278, %dot_general3A_279 {dimension_numbers = #tpu.dot_dimension_numbers<[1], [0], [0], [1], [0, 0, 1, 1], [], []>, transpose_lhs_hint = false} : vector<448x128xf32>, vector<128x128xf32>, vector<448x128xf32> -> vector<448x128xf32>
    %add3A_281 = arith.addf %add3A_268, %dot_general3A_280 : vector<448x128xf32>
    %get3A_282 = arith.constant 22 : index
    %get3A_283 = arith.constant 0 : index
    %get3A_284 = arith.constant 0 : index
    %get3A_285 = vector.load %arg1[%get3A_282, %get3A_283, %get3A_284] : memref<27x448x128xf32, #tpu.memory_space<vmem>>, vector<1x448x128xf32>
    %get3A_286 = vector.shape_cast %get3A_285 : vector<1x448x128xf32> to vector<448x128xf32>
    %get3A_287 = arith.constant 22 : index
    %get3A_288 = arith.constant 0 : index
    %get3A_289 = arith.constant 0 : index
    %get3A_290 = vector.load %arg2[%get3A_287, %get3A_288, %get3A_289] : memref<27x128x128xf32, #tpu.memory_space<vmem>>, vector<1x128x128xf32>
    %get3A_291 = vector.shape_cast %get3A_290 : vector<1x128x128xf32> to vector<128x128xf32>
    %dot_general3A_292 = arith.constant dense<0.000000e+00> : vector<448x128xf32>
    %dot_general3A_293 = tpu.matmul %get3A_286, %get3A_291, %dot_general3A_292 {dimension_numbers = #tpu.dot_dimension_numbers<[1], [0], [0], [1], [0, 0, 1, 1], [], []>, transpose_lhs_hint = false} : vector<448x128xf32>, vector<128x128xf32>, vector<448x128xf32> -> vector<448x128xf32>
    %add3A_294 = arith.addf %add3A_281, %dot_general3A_293 : vector<448x128xf32>
    %get3A_295 = arith.constant 23 : index
    %get3A_296 = arith.constant 0 : index
    %get3A_297 = arith.constant 0 : index
    %get3A_298 = vector.load %arg1[%get3A_295, %get3A_296, %get3A_297] : memref<27x448x128xf32, #tpu.memory_space<vmem>>, vector<1x448x128xf32>
    %get3A_299 = vector.shape_cast %get3A_298 : vector<1x448x128xf32> to vector<448x128xf32>
    %get3A_300 = arith.constant 23 : index
    %get3A_301 = arith.constant 0 : index
    %get3A_302 = arith.constant 0 : index
    %get3A_303 = vector.load %arg2[%get3A_300, %get3A_301, %get3A_302] : memref<27x128x128xf32, #tpu.memory_space<vmem>>, vector<1x128x128xf32>
    %get3A_304 = vector.shape_cast %get3A_303 : vector<1x128x128xf32> to vector<128x128xf32>
    %dot_general3A_305 = arith.constant dense<0.000000e+00> : vector<448x128xf32>
    %dot_general3A_306 = tpu.matmul %get3A_299, %get3A_304, %dot_general3A_305 {dimension_numbers = #tpu.dot_dimension_numbers<[1], [0], [0], [1], [0, 0, 1, 1], [], []>, transpose_lhs_hint = false} : vector<448x128xf32>, vector<128x128xf32>, vector<448x128xf32> -> vector<448x128xf32>
    %add3A_307 = arith.addf %add3A_294, %dot_general3A_306 : vector<448x128xf32>
    %get3A_308 = arith.constant 24 : index
    %get3A_309 = arith.constant 0 : index
    %get3A_310 = arith.constant 0 : index
    %get3A_311 = vector.load %arg1[%get3A_308, %get3A_309, %get3A_310] : memref<27x448x128xf32, #tpu.memory_space<vmem>>, vector<1x448x128xf32>
    %get3A_312 = vector.shape_cast %get3A_311 : vector<1x448x128xf32> to vector<448x128xf32>
    %get3A_313 = arith.constant 24 : index
    %get3A_314 = arith.constant 0 : index
    %get3A_315 = arith.constant 0 : index
    %get3A_316 = vector.load %arg2[%get3A_313, %get3A_314, %get3A_315] : memref<27x128x128xf32, #tpu.memory_space<vmem>>, vector<1x128x128xf32>
    %get3A_317 = vector.shape_cast %get3A_316 : vector<1x128x128xf32> to vector<128x128xf32>
    %dot_general3A_318 = arith.constant dense<0.000000e+00> : vector<448x128xf32>
    %dot_general3A_319 = tpu.matmul %get3A_312, %get3A_317, %dot_general3A_318 {dimension_numbers = #tpu.dot_dimension_numbers<[1], [0], [0], [1], [0, 0, 1, 1], [], []>, transpose_lhs_hint = false} : vector<448x128xf32>, vector<128x128xf32>, vector<448x128xf32> -> vector<448x128xf32>
    %add3A_320 = arith.addf %add3A_307, %dot_general3A_319 : vector<448x128xf32>
    %get3A_321 = arith.constant 25 : index
    %get3A_322 = arith.constant 0 : index
    %get3A_323 = arith.constant 0 : index
    %get3A_324 = vector.load %arg1[%get3A_321, %get3A_322, %get3A_323] : memref<27x448x128xf32, #tpu.memory_space<vmem>>, vector<1x448x128xf32>
    %get3A_325 = vector.shape_cast %get3A_324 : vector<1x448x128xf32> to vector<448x128xf32>
    %get3A_326 = arith.constant 25 : index
    %get3A_327 = arith.constant 0 : index
    %get3A_328 = arith.constant 0 : index
    %get3A_329 = vector.load %arg2[%get3A_326, %get3A_327, %get3A_328] : memref<27x128x128xf32, #tpu.memory_space<vmem>>, vector<1x128x128xf32>
    %get3A_330 = vector.shape_cast %get3A_329 : vector<1x128x128xf32> to vector<128x128xf32>
    %dot_general3A_331 = arith.constant dense<0.000000e+00> : vector<448x128xf32>
    %dot_general3A_332 = tpu.matmul %get3A_325, %get3A_330, %dot_general3A_331 {dimension_numbers = #tpu.dot_dimension_numbers<[1], [0], [0], [1], [0, 0, 1, 1], [], []>, transpose_lhs_hint = false} : vector<448x128xf32>, vector<128x128xf32>, vector<448x128xf32> -> vector<448x128xf32>
    %add3A_333 = arith.addf %add3A_320, %dot_general3A_332 : vector<448x128xf32>
    %get3A_334 = arith.constant 26 : index
    %get3A_335 = arith.constant 0 : index
    %get3A_336 = arith.constant 0 : index
    %get3A_337 = vector.load %arg1[%get3A_334, %get3A_335, %get3A_336] : memref<27x448x128xf32, #tpu.memory_space<vmem>>, vector<1x448x128xf32>
    %get3A_338 = vector.shape_cast %get3A_337 : vector<1x448x128xf32> to vector<448x128xf32>
    %get3A_339 = arith.constant 26 : index
    %get3A_340 = arith.constant 0 : index
    %get3A_341 = arith.constant 0 : index
    %get3A_342 = vector.load %arg2[%get3A_339, %get3A_340, %get3A_341] : memref<27x128x128xf32, #tpu.memory_space<vmem>>, vector<1x128x128xf32>
    %get3A_343 = vector.shape_cast %get3A_342 : vector<1x128x128xf32> to vector<128x128xf32>
    %dot_general3A_344 = arith.constant dense<0.000000e+00> : vector<448x128xf32>
    %dot_general3A_345 = tpu.matmul %get3A_338, %get3A_343, %dot_general3A_344 {dimension_numbers = #tpu.dot_dimension_numbers<[1], [0], [0], [1], [0, 0, 1, 1], [], []>, transpose_lhs_hint = false} : vector<448x128xf32>, vector<128x128xf32>, vector<448x128xf32> -> vector<448x128xf32>
    %add3A_346 = arith.addf %add3A_333, %dot_general3A_345 : vector<448x128xf32>
    %get3A_347 = arith.constant 0 : index
    %get3A_348 = arith.constant 0 : index
    %get3A_349 = vector.load %arg3[%get3A_347, %get3A_348] : memref<1x128xf32, #tpu.memory_space<vmem>>, vector<1x128xf32>
    %add3A_350 = vector.broadcast %get3A_349 : vector<1x128xf32> to vector<448x128xf32>
    %add3A_351 = arith.addf %add3A_346, %add3A_350 : vector<448x128xf32>
    %swap3A = arith.constant 0 : index
    %swap3A_352 = arith.constant 0 : index
    %swap3A_353 = vector.load %arg4[%swap3A, %swap3A_352] : memref<448x128xf32, #tpu.memory_space<vmem>>, vector<448x128xf32>
    tpu.vector_store %arg4[%swap3A, %swap3A_352], %add3A_351 {strides = array<i32>} : memref<448x128xf32, #tpu.memory_space<vmem>>, vector<448x128xf32>,
    return
  }
  func.func @transform_0(%arg0: i32) -> (i32, i32, i32) {
    %c0_i32 = arith.constant 0 : i32
    %c0_i32_0 = arith.constant 0 : i32
    %c0_i32_1 = arith.constant 0 : i32
    return %c0_i32, %arg0, %c0_i32_0 : i32, i32, i32
  }
  func.func @transform_1(%arg0: i32) -> (i32, i32, i32) {
    %c0_i32 = arith.constant 0 : i32
    %c0_i32_0 = arith.constant 0 : i32
    %c0_i32_1 = arith.constant 0 : i32
    %c0_i32_2 = arith.constant 0 : i32
    return %c0_i32, %c0_i32_0, %c0_i32_1 : i32, i32, i32
  }
  func.func @transform_2(%arg0: i32) -> (i32, i32) {
    %c0_i32 = arith.constant 0 : i32
    %c0_i32_0 = arith.constant 0 : i32
    %c0_i32_1 = arith.constant 0 : i32
    return %c0_i32, %c0_i32_0 : i32, i32
  }
  func.func @transform_3(%arg0: i32) -> (i32, i32) {
    %c0_i32 = arith.constant 0 : i32
    %c0_i32_0 = arith.constant 0 : i32
    return %arg0, %c0_i32 : i32, i32
  }
}

</mosaic_0001>

<sc_bundles>
// kernel: kernel.4.cloned.1.call-start
scs
__scs_entry_jumppad:
0x0: {  	(pc) =	sbr.rel $0x88, $3  }
0x1: {  	(tag) =	ssettag $0x0;
	lr =	simm.s32 $0x1  }
0x2: {  	[smem:$0x3F9C] =	sst lr;
	_ =	strace $0xD0000000  }
0x3: {  	_ = 	snop  }
0x4: {  	_ = 	snop  }
0x5: {  	_ = 	snop  }
0x6: {  	_ = 	snop  }
0x7: {  	_ = 	snop  }
__scs_overlays_trampoline_lowered:
0x8: {  	[smem:$0x3FAB] =	sst s0  }
0x9: {  	[smem:$0x3FAC] =	sst s1  }
0xa: {  	[smem:$0x3FAD] =	sst s2  }
0xb: {  	[smem:$0x3FAE] =	sst s3  }
0xc: {  	[smem:$0x3FAF] =	sst s4  }
0xd: {  	[smem:$0x3FB0] =	sst s5  }
0xe: {  	[smem:$0x3FB1] =	sst s6  }
0xf: {  	[smem:$0x3FB2] =	sst s7  }
0x10: {  	[smem:$0x3FB3] =	sst s8  }
0x11: {  	[smem:$0x3FB4] =	sst s9;
	s0 =	simm.s32 @!p0 $0x0  }
0x12: {  	s1 =	sld [smem:$0x3F9A];
	s0 =	simm.s32 @p0 $0x1  }
0x13: {  	[smem:$0x3FB5] =	sst s0;
	s0 =	simm.s32 @!p1 $0x0  }
0x14: {  	s2 =	sld [smem:$0x3F99];
	s0 =	simm.s32 @p1 $0x1  }
0x15: {  	[smem:$0x3FB6] =	sst s0;
	s0 =	simm.s32 @!p2 $0x0  }
0x16: {  	s3 =	sld [smem:$0x3FDB];
	s0 =	simm.s32 @p2 $0x1  }
0x17: {  	s4 =	simm.s32 $0x1BF5;
	[smem:$0x3FB8] =	sst s0  }
0x18: {  	s0 =	sld [smem:$0x3F9B];
	_ =	swait.ge [sflag:s4], $0x0  }
0x19: {  	s7 =	sld [smem:$0x3F9C]  }
0x1a: {  	s8 =	sadd.s32 $0xFFFFE003, lr  }
0x1b: {  	s9 =	sadd.s32 $0xFFFFFEF7, lr;
	s5 =	simm.s32 $0xFFFFFFFF;
	p2 =	slt.u32 s8, $0xFFFFF086  }
0x1c: {  	p1 =	slt.u32 s9, $0xF7A;
	s5 =	simm.s32 @!p2 $0x0  }
0x1d: {  	s5 =	simm.s32 @p1 $0x1;
	p0 =	seq.s32 s7, s2  }
0x1e: {  	s7 =	smul.u32 @!p0 $0xF7A, s2;
	p2 =	seq.s32 @!p0 s5, $0x0  }
0x1f: {  	s9 =	smul.u32 $0xF7A, s1;
	s8 =	simm.s32 @!p0 $0x1BF5;
	p2 =	por !p2, p0  }
0x20: {  	[sflag:s8] =	ssyncset.s32 @!p0 $0xFFFFF086;
	s6 =	sadd.s32 @!p0 s3, s7;
	s7 =	simm.s32 @!p0 $0x108  }
0x21: {  	s3 =	sadd.s32 s3, s9;
	s6 =	sadd.s32 @!p0 $0x88, s6;
	s7 =	simm.s32 @p2 $0x1082  }
0x22: {  	[simem:s7], [sflag:s8] =	dma.local @!p0 [hbm:s6], $0xF7A  }
0x23: {  	s9 =	sor.u32 $0xD0000000, s2;
	s6 =	simm.s32 $0x108;
	_ =	swait.ge @!p0 [sflag:s8], $0x0  }
0x24: {  	s3 =	sadd.s32 $0x88, s3;
	s6 =	simm.s32 @!p1 $0x1082;
	[sflag:s4] =	ssyncset.s32 $0xFFFFF086  }
0x25: {  	[simem:s6], [sflag:s4] =	dma.local [hbm:s3], $0xF7A  }
0x26: {  	[smem:$0x3F9C] =	sst s1;
	(tag) =	ssettag s2;
	_ =	strace s9  }
0x27: {  	s1 =	sld [smem:$0x3FAC]  }
0x28: {  	s2 =	sld [smem:$0x3FAD]  }
0x29: {  	s4 =	sld [smem:$0x3FAF]  }
0x2a: {  	p0 =	seq.s32 s5, $0x0;
	s5 =	sld [smem:$0x3FB0]  }
0x2b: {  	s6 =	sld [smem:$0x3FB1]  }
0x2c: {  	s7 =	sld [smem:$0x3FB2]  }
0x2d: {  	s3 =	simm.s32 $0x108;
	s8 =	sld [smem:$0x3FB3]  }
0x2e: {  	s3 =	simm.s32 @!p0 $0x1082;
	s9 =	sld [smem:$0x3FB4]  }
0x2f: {  	lr =	sadd.s32 s0, s3;
	s0 =	sld [smem:$0x3FAB]  }
0x30: {  	s3 =	sld [smem:$0x3FAE]  }
0x31: {  	[smem:$0x3FB7] =	sst s10  }
0x32: {  	s10 =	sld [smem:$0x3FB5];
	_ =	sdelay $0x3  }
0x33: {  	p0 =	seq.s32 s10, $0x1;
	s10 =	sld [smem:$0x3FB7];
	_ =	sdelay $0x3  }
0x34: {  	[smem:$0x3FB7] =	sst s10  }
0x35: {  	s10 =	sld [smem:$0x3FB6];
	_ =	sdelay $0x3  }
0x36: {  	p1 =	seq.s32 s10, $0x1;
	s10 =	sld [smem:$0x3FB7];
	_ =	sdelay $0x3  }
0x37: {  	[smem:$0x3FB7] =	sst s10  }
0x38: {  	s10 =	sld [smem:$0x3FB8]  }
0x39: {  	_ = 	snop;
	(pc) =	sbr.ind lr, $3  }
0x3a: {  	_ = 	snop  }
0x3b: {  	_ = 	snop  }
0x3c: {  	p2 =	seq.s32 s10, $0x1;
	s10 =	sld [smem:$0x3FB7]  }
0x3d: {  	_ =	shalt  }
0x3e: {  	_ =	shalt  }
0x3f: {  	_ =	shalt  }
0x40: {  	_ =	shalt  }
0x41: {  	_ =	shalt  }
0x42: {  	_ =	shalt  }
0x43: {  	_ =	shalt  }
0x44: {  	_ =	shalt  }
0x45: {  	_ =	shalt  }
0x46: {  	_ =	shalt  }
0x47: {  	_ =	shalt  }
0x48: {  	_ =	shalt  }
0x49: {  	_ =	shalt  }
0x4a: {  	_ =	shalt  }
0x4b: {  	_ =	shalt  }
0x4c: {  	_ =	shalt  }
0x4d: {  	_ =	shalt  }
0x4e: {  	_ =	shalt  }
0x4f: {  	_ =	shalt  }
0x50: {  	_ =	shalt  }
0x51: {  	_ =	shalt  }
0x52: {  	_ =	shalt  }
0x53: {  	_ =	shalt  }
0x54: {  	_ =	shalt  }
0x55: {  	_ =	shalt  }
0x56: {  	_ =	shalt  }
0x57: {  	_ =	shalt  }
0x58: {  	_ =	shalt  }
0x59: {  	_ =	shalt  }
0x5a: {  	_ =	shalt  }
0x5b: {  	_ =	shalt  }
0x5c: {  	_ =	shalt  }
0x5d: {  	_ =	shalt  }
0x5e: {  	_ =	shalt  }
0x5f: {  	_ =	shalt  }
0x60: {  	_ =	shalt  }
0x61: {  	_ =	shalt  }
0x62: {  	_ =	shalt  }
0x63: {  	_ =	shalt  }
0x64: {  	_ =	shalt  }
0x65: {  	_ =	shalt  }
0x66: {  	_ =	shalt  }
0x67: {  	_ =	shalt  }
0x68: {  	_ =	shalt  }
0x69: {  	_ =	shalt  }
0x6a: {  	_ =	shalt  }
0x6b: {  	_ =	shalt  }
0x6c: {  	_ =	shalt  }
0x6d: {  	_ =	shalt  }
0x6e: {  	_ =	shalt  }
0x6f: {  	_ =	shalt  }
0x70: {  	_ =	shalt  }
0x71: {  	_ =	shalt  }
0x72: {  	_ =	shalt  }
0x73: {  	_ =	shalt  }
0x74: {  	_ =	shalt  }
0x75: {  	_ =	shalt  }
0x76: {  	_ =	shalt  }
0x77: {  	_ =	shalt  }
0x78: {  	_ =	shalt  }
0x79: {  	_ =	shalt  }
0x7a: {  	_ =	shalt  }
0x7b: {  	_ =	shalt  }
0x7c: {  	_ =	shalt  }
0x7d: {  	_ =	shalt  }
0x7e: {  	_ =	shalt  }
0x7f: {  	_ =	shalt  }
0x80: {  	_ =	shalt  }
0x81: {  	_ =	shalt  }
0x82: {  	_ =	shalt  }
0x83: {  	_ =	shalt  }
0x84: {  	_ =	shalt  }
0x85: {  	_ =	shalt  }
0x86: {  	_ =	shalt  }
0x87: {  	_ =	shalt  }
.Lfunc_end0:
.L_simem_size_0:
called_computation_lowered:
.L_overlay_start_0:
0x88: {  	s2 =	sld [smem:$0x3FD9]  }
0x89: {  	s3 =	sld [smem:$0x3FFE];
	_ =	sdelay $0x1  }
0x8a: {  	s1 =	srdreg.scid  }
0x8b: {  	s0 =	sand.u32 $0x1, s1  }
0x8c: {  	s17 =	sshll.u32 s0, $0xA;
	s2 =	sadd.s32 s3, s2  }
0x8d: {  	s2 =	sadd.s32 s2, s17  }
0x8e: {  	[smem:$0x3FC3] =	sst s2  }
0x8f: {  	_ = 	snop  }
0x90: {  	s2 =	sld [smem:$0x3FD0];
	(tm) =	ssettm $0x1  }
0x91: {  	s18 =	sld [smem:$0x3FFB];
	_ =	sdelay $0x3  }
0x92: {  	_ =	strace s18  }
0x93: {  	s3 =	sld [smem:$0x3FFC];
	_ =	sdelay $0x3  }
0x94: {  	_ =	strace s3  }
0x95: {  	s3 =	sld [smem:$0x3FFD];
	_ =	sdelay $0x3  }
0x96: {  	_ =	strace s3  }
0x97: {  	_ =	strace $0x8FFFFFFF  }
0x98: {  	s19 =	sld [smem:$0x3FDB];
	_ =	sdelay $0x1  }
0x99: {  	s4 =	simm.s32 $_scs_section_size  }
0x9a: {  	s5 =	simm.s32 $_size__tile_overlayer_lowered;
	s6 =	simm.s32 $_tile_overlayer_lowered  }
0x9b: {  	s22 =	simm.s32 $0x1BFF;
	s21 =	sshll.u32 s6, $0x1;
	s3 =	sadd.s32 s4, s19  }
0x9c: {  	s7 =	simm.s32 $0x0;
	s20 =	sshll.u32 s5, $0x1;
	s5 =	sadd.s32 s21, s3  }
0x9d: {  	[timem:s7], [sflag:s22] =	dma.local [hbm:s5], s20  }
0x9e: {  	_ =	swait.ge [sflag:s22], s20  }
0x9f: {  	s4 =	ssub.s32 $0x0, s20;
	[sflag:s22] =	ssyncset.done $0x0  }
0xa0: {  	[sflag:s22] =	ssyncadd.s32 s4;
	_ =	sdelay $0x1  }
0xa1: {  	s23 =	simm.s32 $0x1B8B  }
0xa2: {  	_ =	swait.ge [sflag:s23], $0x1  }
0xa3: {  	[sflag:s23] =	ssyncset.done $0x0  }
0xa4: {  	s25 =	simm.s32 $0x1B8E;
	s24 =	sld [smem:$0x3FFE];
	[sflag:s23] =	ssyncadd.s32 $0xFFFFFFFF  }
0xa5: {  	s26 =	simm.s32 $execute0_lowered;
	[smem:$0x3FD2] =	sst s25  }
0xa6: {  	s5 =	sshll.u32 s26, $0x1;
	_ =	strace $0x80000046;
	[dreg:$0x1] =	wrdreg $0xFFFFFFFF  }
0xa7: {  	s28 =	simm.s32 $_size_execute0_lowered;
	s3 =	sadd.s32 s3, s5;
	[dreg:$0x0] =	wrdreg $0x0  }
0xa8: {  	s5 =	sshll.u32 s28, $0x1;
	[dreg:$0x2] =	wrdreg s3  }
0xa9: {  	[dreg:$0x3] =	wrdreg s5  }
0xaa: {  	[dreg:$0x4] =	wrdreg $0xC0  }
0xab: {  	_ =	task [dreg:s7], $0x5FFFF  }
0xac: {  	[dreg:$0x1] =	wrdreg $0xFFFFFFFF  }
0xad: {  	[dreg:$0x0] =	wrdreg $0x60  }
0xae: {  	[dreg:$0x2] =	wrdreg s24  }
0xaf: {  	[dreg:$0x3] =	wrdreg s2  }
0xb0: {  	[dreg:$0x4] =	wrdreg $0x9  }
0xb1: {  	_ =	task.clear_ibuf [dreg:s7], $0x5FFFF;
	_ =	strace $0x90000046  }
0xb2: {  	s29 =	simm.s32 $0x9;
	_ =	strace $0x80000048  }
0xb3: {  	_ =	swait.ge [sflag:s29], $0x1  }
0xb4: {  	[sflag:s29] =	ssyncadd.s32 $0xFFFFFFFF  }
0xb5: {  	_ =	strace $0x90000048  }
0xb6: {  	_ =	sfence  }
0xb7: {  	s30 =	sld [smem:$0x0];
	_ =	sdelay $0x2  }
0xb8: {  	s31 =	sshll.u32 s1, $0xD;
	s1 =	sshrl.u32 s1, $0x2  }
0xb9: {  	s3 =	sand.u32 $0x4000, s31;
	s1 =	sadd.s32 s1, s30  }
0xba: {  	s0 =	sor.u32 s3, s0;
	s1 =	sshll.u32 s1, $0x11  }
0xbb: {  	s0 =	sor.u32 s1, s0  }
0xbc: {  	s0 =	sadd.s32 $0x8F2B, s0  }
0xbd: {  	[sflag:s0] =	ssyncadd.remote.s32 $0x1  }
0xbe: {  	_ =	sfence.sel $0xFFFF  }
0xbf: {  	[dreg:$0x0] =	wrdreg $0xFFFFFFFF;
	(pc) =	sbr.abs _section_cstart, $3  }
0xc0: {  	[dreg:$0x1] =	wrdreg $0xFFFFFFFF  }
0xc1: {  	_ =	task.clear_ibuf [dreg:s7], $0x2FFFF;
	_ =	strace $0x9FFFFFFF  }
0xc2: {  	(tm) =	ssettm $0x7FFFFFFF  }
0xc3: {  	_ =	shalt  }
tec
execute0_lowered:
.L_overlay_start_1:
0x0: {  	(tag) =	ssettag $0x1  }
0x1: {  	s0 =	rddreg [dreg:$0x0];
	s1 =	srdreg.scid  }
0x2: {  	s19 =	stileid.u32;
	s9 =	rddreg [dreg:$0x1]  }
0x3: {  	s2 =	simm.s32 $0x0;
	s16 =	simm.s32 $0xC400;
	s17 =	simm.s32 $0x5  }
0x4: {  	s18 =	simm.s32 $0xCC00;
	s20 =	simm.s32 $0x60;
	s21 =	simm.s32 $0x17980  }
0x5: {  	s23 =	simm.s32 $0x1A980;
	s28 =	simm.s32 $0x4;
	s29 =	simm.s32 $0x17900  }
0x6: {  	s30 =	simm.s32 $0x0;
	s1 =	sand.u32 $0x1, s1;
	s4 =	smul.u32 $0xC350, s19  }
0x7: {  	s3 =	sshll.u32 s19, $0x1;
	[smem:$0x7FF] =	sst s2;
	s8 =	smul.u32 $0x1880, s19  }
0x8: {  	s5 =	sadd.s32 $0x1400, s0;
	s12 =	sor.u32 $0x10, s19;
	s25 =	smul.u32 $0x14AC00, s19  }
0x9: {  	s6 =	sadd.s32 $0x2A800, s0;
	p0 =	sgt.u32 s19, $0xA;
	s7 =	smul.u32 $0xC350, s12  }
0xa: {  	s19 =	simm.s32 $0xD400;
	s11 =	sor.u32 s1, s3;
	s12 =	smul.u32 $0x1880, s12  }
0xb: {  	_ =	strace $0x80000047;
	s13 =	ssub.s32 $0x2, s1;
	s1 =	smul.u32 $0xA5600, s1  }
0xc: {  	s3 =	sadd.s32 $0x53C00, s0;
	s0 =	sadd.s32 $0x117200, s0;
	s10 =	smul.u32 $0xA560, s11  }
0xd: {  	s14 =	sshrl.u32 s13, $0x1;
	s8 =	sadd.s32 s9, s8;
	s24 =	smul.u32 $0x52B000, s11  }
0xe: {  	s31 =	smul.u32 $0xA5600, s11;
	s15 =	sadd.s32 s25, s0;
	s25 =	simm.s32 $0x3  }
0xf: {  	s13 =	ssub.s32 s13, s14;
	s12 =	sadd.s32 s9, s12;
	s1 =	sadd.s32 s1, s15  }
0x10: {  	[dreg:$0x3] =	wrdreg s12;
	s10 =	sshrl.u32 s10, $0x3;
	s26 =	sshrl.u32 s24, $0x3  }
0x11: {  	s13 =	smax.u32 s13, $0x1;
	s14 =	sadd.s32 s0, s31;
	s24 =	simm.s32 $0x1  }
0x12: {  	s10 =	sadd.s32 s9, s10;
	s9 =	sadd.s32 s0, s26;
	s0 =	sadd.s32 $0xC00, s1  }
0x13: {  	v0 =	vimm.s32 $0xC350;
	s26 =	simm.s32 $0x2;
	s11 =	sadd.s32 $0xA4A00, s9;
	s12 =	sadd.s32 $0xA5000, s9  }
.LBB2_1:
0x14: {  	s1 =	simm.s32 $0x40;
	s9 =	simm.s32 $0x0  }
.LBB2_2:
0x15: {  	p1 =	sne.s32 s1, $0x30FC0;
	[tilespmem:s9+$0x0] =	vst v0;
	s9 =	smov.u32 s1;
	s1 =	sadd.s32 $0x40, s1  }
.Ltmp0:
0x16: {  	(pc) =	sbr.rel @p1 .LBB2_2-.Ltmp0, $2  }
0x17: {  	_ =	sdelay $0x2  }
0x18: {  	s9 =	sshra.s32 s9, $0x2  }
0x19: {  	[tilespmem:s9+$0x0] =	vst v0;
	s1 =	simm.s32 $0x0;
	s15 =	simm.s32 $0x0  }
.LBB2_4:
0x1a: {  	s9 =	smul.u32 $0x7D0, s15;
	_ =	sdelay $0x1  }
0x1b: {  	s9 =	sadd.s32 s4, s9  }
0x1c: {  	s9 =	sshrl.u32 s9, $0x3  }
0x1d: {  	s31 =	sadd.s32 s5, s9  }
0x1e: {  	[tilespmem:s16], [sflag:$0x5] =	stream.linear.gather [hbm4b:s31+s1], $0x7D0, $0x38;
	[tilespmem:$0x1D980] =	vst v63  }
0x1f: {  	_ =	swait.ge [sflag:s17], $0x7D0  }
0x20: {  	[sflag:s17] =	ssyncset.done $0x0  }
0x21: {  	s9 =	sadd.s32 s6, s9;
	[sflag:s17] =	ssyncadd.s32 $0xFFFFF830  }
0x22: {  	[tilespmem:s18], [sflag:$0x5] =	stream.linear.gather [hbm4b:s9+s1], $0x7D0, $0x38;
	[tilespmem:$0x1D980] =	vst v63  }
0x23: {  	_ =	swait.ge [sflag:s17], $0x7D0  }
0x24: {  	[sflag:s17] =	ssyncset.done $0x0  }
0x25: {  	s31 =	simm.s32 $0x40;
	s9 =	simm.s32 $0x0;
	[sflag:s17] =	ssyncadd.s32 $0xFFFFF830  }
.LBB2_5:
0x26: {  	p1 =	sne.s32 s31, $0x1F00;
	v1 =	vld [tilespmem:s9+$0xCC00];
	_ =	sdelay $0x2  }
0x27: {  	v2 =	vld [tilespmem:s9+$0xC400]  }
.Ltmp1:
0x28: {  	(pc) =	sbr.rel @p1 .LBB2_5-.Ltmp1, $2  }
0x29: {  	_ =	sdelay $0x2  }
0x2a: {  	s9 =	sshra.s32 s31, $0x2;
	s31 =	sadd.s32 $0x40, s31;
	[tilespmem:v1+s2+$0x0] =	vst.idx.msk $0xffff, v2  }
0x2b: {  	v1 =	vld [tilespmem:s9+$0xCC00];
	_ =	sdelay $0x1  }
0x2c: {  	s15 =	sadd.s32 $0x1, s15  }
0x2d: {  	v2 =	vld [tilespmem:s9+$0xC400];
	p1 =	sne.s32 s15, $0x19  }
.Ltmp2:
0x2e: {  	_ = 	snop;
	(pc) =	sbr.rel @p1 .LBB2_4-.Ltmp2, $2  }
0x2f: {  	_ =	sdelay $0x2  }
0x30: {  	[tilespmem:v1+s2+$0x0] =	vst.idx.msk $0xffff, v2  }
.Ltmp3:
0x31: {  	s31 =	simm.s32 $0x0;
	(pc) =	sbr.rel @p0 .LBB2_15-.Ltmp3, $4  }
0x32: {  	[hbm4b:s8+s31] =	stream.linear.scatter [tilespmem:s31], [sflag:$0x5], $0xC400, $0x38;
	[tilespmem:$0x1D980] =	vst v63  }
0x33: {  	_ =	swait.ge [sflag:s17], $0xC400  }
0x34: {  	[sflag:s17] =	ssyncset.done $0x0  }
0x35: {  	[sflag:s17] =	ssyncadd.s32 $0xFFFF3C00  }
0x36: {  	s1 =	simm.s32 $0x40;
	s9 =	simm.s32 $0x0  }
.LBB2_9:
0x37: {  	p1 =	sne.s32 s1, $0x30FC0;
	[tilespmem:s9+$0x0] =	vst v0;
	s9 =	smov.u32 s1;
	s1 =	sadd.s32 $0x40, s1  }
.Ltmp4:
0x38: {  	(pc) =	sbr.rel @p1 .LBB2_9-.Ltmp4, $2  }
0x39: {  	_ =	sdelay $0x2  }
0x3a: {  	s9 =	sshra.s32 s9, $0x2  }
0x3b: {  	[tilespmem:s9+$0x0] =	vst v0  }
.LBB2_11:
0x3c: {  	s1 =	smul.u32 $0x7D0, s31;
	_ =	sdelay $0x1  }
0x3d: {  	s1 =	sadd.s32 s7, s1  }
0x3e: {  	s1 =	sshrl.u32 s1, $0x3  }
0x3f: {  	s15 =	simm.s32 $0x0;
	s9 =	sadd.s32 s5, s1  }
0x40: {  	[tilespmem:s16], [sflag:$0x5] =	stream.linear.gather [hbm4b:s9+s15], $0x7D0, $0x38;
	[tilespmem:$0x1D980] =	vst v63  }
0x41: {  	_ =	swait.ge [sflag:s17], $0x7D0  }
0x42: {  	[sflag:s17] =	ssyncset.done $0x0  }
0x43: {  	s1 =	sadd.s32 s6, s1;
	[sflag:s17] =	ssyncadd.s32 $0xFFFFF830  }
0x44: {  	[tilespmem:s18], [sflag:$0x5] =	stream.linear.gather [hbm4b:s1+s15], $0x7D0, $0x38;
	[tilespmem:$0x1D980] =	vst v63  }
0x45: {  	_ =	swait.ge [sflag:s17], $0x7D0  }
0x46: {  	[sflag:s17] =	ssyncset.done $0x0  }
0x47: {  	s9 =	simm.s32 $0x0;
	s1 =	simm.s32 $0x40;
	[sflag:s17] =	ssyncadd.s32 $0xFFFFF830  }
.LBB2_12:
0x48: {  	p1 =	sne.s32 s1, $0x1F00;
	v1 =	vld [tilespmem:s9+$0xCC00];
	_ =	sdelay $0x2  }
0x49: {  	v2 =	vld [tilespmem:s9+$0xC400]  }
.Ltmp5:
0x4a: {  	(pc) =	sbr.rel @p1 .LBB2_12-.Ltmp5, $2  }
0x4b: {  	_ =	sdelay $0x2  }
0x4c: {  	s9 =	sshra.s32 s1, $0x2;
	s1 =	sadd.s32 $0x40, s1;
	[tilespmem:v1+s2+$0x0] =	vst.idx.msk $0xffff, v2  }
0x4d: {  	v1 =	vld [tilespmem:s9+$0xCC00];
	_ =	sdelay $0x1  }
0x4e: {  	s31 =	sadd.s32 $0x1, s31  }
0x4f: {  	v2 =	vld [tilespmem:s9+$0xC400];
	p1 =	sne.s32 s31, $0x19  }
.Ltmp6:
0x50: {  	_ = 	snop;
	(pc) =	sbr.rel @p1 .LBB2_11-.Ltmp6, $2  }
0x51: {  	_ =	sdelay $0x2  }
0x52: {  	[tilespmem:v1+s2+$0x0] =	vst.idx.msk $0xffff, v2  }
0x53: {  	s1 =	rddreg [dreg:$0x3]  }
0x54: {  	[hbm4b:s1+s2] =	stream.linear.scatter [tilespmem:s2], [sflag:$0x5], $0xC400, $0x38;
	[tilespmem:$0x1D980] =	vst v63  }
0x55: {  	_ =	swait.ge [sflag:s17], $0xC400  }
0x56: {  	[sflag:s17] =	ssyncset.done $0x0  }
0x57: {  	[sflag:s17] =	ssyncadd.s32 $0xFFFF3C00  }
.LBB2_15:
0x58: {  	[bflag:$0x0] =	sbarrier.arrive $0xFFFF;
	s1 =	simm.s32 $0x0  }
0x59: {  	[tilespmem:s19], [sflag:$0x5] =	stream.linear.gather [hbm4b:s10+s1], $0xA560, $0x38;
	[tilespmem:$0x1D980] =	vst v63  }
0x5a: {  	_ =	swait.ge [sflag:s17], $0xA560  }
0x5b: {  	[sflag:s17] =	ssyncset.done $0x0  }
0x5c: {  	[sflag:s17] =	ssyncadd.s32 $0xFFFF5AA0  }
0x5d: {  	[tilespmem:s21], [sflag:$0x1] =	stream.indirect.gather [hbm4b:s3+s20], $0x80, s19, s20, $0xb8;
	[tilespmem:$0x1D980] =	vst v63  }
0x5e: {  	s9 =	simm.s32 $0xD460  }
0x5f: {  	[tilespmem:s23], [sflag:$0x2] =	stream.indirect.gather [hbm4b:s3+s20], $0x80, s9, s20, $0xb8;
	[tilespmem:$0x1D980] =	vst v63  }
0x60: {  	_ =	swait.ge [sflag:s24], $0x3000  }
0x61: {  	[sflag:s24] =	ssyncset.done $0x0  }
0x62: {  	[sflag:s24] =	ssyncadd.s32 $0xFFFFD000  }
0x63: {  	[hbm4b:s14+s1] =	stream.linear.scatter [tilespmem:s21], [sflag:$0x3], $0x3000, $0x38;
	[tilespmem:$0x1D980] =	vst v63  }
0x64: {  	_ =	swait.ge [sflag:s25], $0x3000  }
0x65: {  	[sflag:s25] =	ssyncset.done $0x0  }
0x66: {  	s9 =	simm.s32 $0xD4C0;
	[sflag:s25] =	ssyncadd.s32 $0xFFFFD000  }
0x67: {  	[tilespmem:s21], [sflag:$0x1] =	stream.indirect.gather [hbm4b:s3+s20], $0x80, s9, s20, $0xb8;
	[tilespmem:$0x1D980] =	vst v63  }
0x68: {  	_ =	swait.ge [sflag:s26], $0x3000  }
0x69: {  	[sflag:s26] =	ssyncset.done $0x0  }
0x6a: {  	s15 =	sadd.s32 $0xFFFFFA00, s0;
	[sflag:s26] =	ssyncadd.s32 $0xFFFFD000  }
0x6b: {  	[hbm4b:s15+s2] =	stream.linear.scatter [tilespmem:s23], [sflag:$0x4], $0x3000, $0x38;
	[tilespmem:$0x1D980] =	vst v63  }
0x6c: {  	_ =	swait.ge [sflag:s28], $0x3000  }
0x6d: {  	[sflag:s28] =	ssyncset.done $0x0  }
0x6e: {  	s22 =	simm.s32 $0xD520;
	[sflag:s28] =	ssyncadd.s32 $0xFFFFD000  }
0x6f: {  	[tilespmem:s23], [sflag:$0x2] =	stream.indirect.gather [hbm4b:s3+s20], $0x80, s22, s20, $0xb8;
	[tilespmem:$0x1D980] =	vst v63  }
0x70: {  	_ =	swait.ge [sflag:s24], $0x3000  }
0x71: {  	s31 =	simm.s32 $0x300;
	[sflag:s24] =	ssyncset.done $0x0  }
0x72: {  	s1 =	sadd.s32 $0xC00, s0;
	s15 =	smov.u32 s0;
	[sflag:s24] =	ssyncadd.s32 $0xFFFFD000  }
.LBB2_16:
0x73: {  	[hbm4b:s15+s2] =	stream.linear.scatter [tilespmem:s21], [sflag:$0x3], $0x3000, $0x38;
	[tilespmem:$0x1D980] =	vst v63  }
0x74: {  	s9 =	smov.u32 s31;
	s15 =	smov.u32 s1  }
0x75: {  	p1 =	sne.s32 s31, $0x28E00;
	s31 =	sadd.s32 $0x300, s31;
	_ =	swait.ge [sflag:s25], $0x3000  }
0x76: {  	s9 =	sshra.s32 s9, $0x2;
	[sflag:s25] =	ssyncset.done $0x0  }
0x77: {  	s22 =	sadd.s32 $0xD4C0, s9;
	[sflag:s25] =	ssyncadd.s32 $0xFFFFD000  }
0x78: {  	[tilespmem:s21], [sflag:$0x1] =	stream.indirect.gather [hbm4b:s3+s20], $0x80, s22, s20, $0xb8;
	[tilespmem:$0x1D980] =	vst v63  }
0x79: {  	_ =	swait.ge [sflag:s26], $0x3000  }
0x7a: {  	[sflag:s26] =	ssyncset.done $0x0  }
0x7b: {  	s22 =	sadd.s32 $0xFFFFFA00, s1;
	[sflag:s26] =	ssyncadd.s32 $0xFFFFD000  }
0x7c: {  	[hbm4b:s22+s2] =	stream.linear.scatter [tilespmem:s23], [sflag:$0x4], $0x3000, $0x38;
	[tilespmem:$0x1D980] =	vst v63  }
0x7d: {  	_ =	swait.ge [sflag:s28], $0x3000  }
0x7e: {  	[sflag:s28] =	ssyncset.done $0x0  }
.Ltmp7:
0x7f: {  	s9 =	sadd.s32 $0xD520, s9;
	[sflag:s28] =	ssyncadd.s32 $0xFFFFD000;
	(pc) =	sbr.rel @p1 .LBB2_16-.Ltmp7, $4  }
0x80: {  	[tilespmem:s23], [sflag:$0x2] =	stream.indirect.gather [hbm4b:s3+s20], $0x80, s9, s20, $0xb8;
	[tilespmem:$0x1D980] =	vst v63  }
0x81: {  	_ =	swait.ge [sflag:s24], $0x3000  }
0x82: {  	[sflag:s24] =	ssyncset.done $0x0  }
0x83: {  	s1 =	sadd.s32 $0xC00, s1;
	[sflag:s24] =	ssyncadd.s32 $0xFFFFD000  }
0x84: {  	[hbm4b:s15+s2] =	stream.linear.scatter [tilespmem:s21], [sflag:$0x3], $0x3000, $0x38;
	[tilespmem:$0x1D980] =	vst v63  }
0x85: {  	_ =	swait.ge [sflag:s25], $0x3000  }
0x86: {  	[sflag:s25] =	ssyncset.done $0x0  }
0x87: {  	[sflag:s25] =	ssyncadd.s32 $0xFFFFD000  }
0x88: {  	[tilespmem:s21], [sflag:$0x1] =	stream.indirect.gather [hbm4b:s3+s20], $0x80, s29, s20, $0xb8;
	[tilespmem:$0x1D980] =	vst v63  }
0x89: {  	_ =	swait.ge [sflag:s26], $0x3000  }
0x8a: {  	[sflag:s26] =	ssyncset.done $0x0  }
0x8b: {  	[sflag:s26] =	ssyncadd.s32 $0xFFFFD000  }
0x8c: {  	[hbm4b:s11+s2] =	stream.linear.scatter [tilespmem:s23], [sflag:$0x4], $0x3000, $0x38;
	[tilespmem:$0x1D980] =	vst v63  }
0x8d: {  	_ =	swait.ge [sflag:s24], $0x3000  }
0x8e: {  	[sflag:s24] =	ssyncset.done $0x0  }
0x8f: {  	s30 =	sadd.s32 $0x1, s30;
	[sflag:s24] =	ssyncadd.s32 $0xFFFFD000  }
0x90: {  	[hbm4b:s12+s2] =	stream.linear.scatter [tilespmem:s21], [sflag:$0x3], $0x3000, $0x38;
	[tilespmem:$0x1D980] =	vst v63  }
0x91: {  	p1 =	sne.s32 s30, s13;
	_ =	swait.ge [sflag:s28], $0x3000  }
.Ltmp8:
0x92: {  	[sflag:s28] =	ssyncset.done $0x0;
	(pc) =	sbr.rel @p1 .LBB2_1-.Ltmp8, $4  }
0x93: {  	[sflag:s28] =	ssyncadd.s32 $0xFFFFD000  }
0x94: {  	_ =	swait.ge [sflag:s25], $0x3000  }
0x95: {  	[sflag:s25] =	ssyncset.done $0x0  }
0x96: {  	[sflag:s25] =	ssyncadd.s32 $0xFFFFD000  }
0x97: {  	_ =	sfence.sel $0x180000  }
0x98: {  	[bflag:$0x0] =	sbarrier.arrive $0xFFFF  }
0x99: {  	_ =	strace $0x90000047  }
0x9a: {  	s0 =	stileid.u32;
	[bflag:$0x2] =	sbarrier.arrive $0xFFFF  }
0x9b: {  	p0 =	sne.s32 s0, $0x0;
	s0 =	rddreg [dreg:$0x2]  }
0x9c: {  	s0 =	sadd.s32 @!p0 $0x100000, s0  }
0x9d: {  	[sflag:s0] =	ssyncadd.tile.s32 @!p0 $0x1;
	_ =	shalt  }
.Lfunc_end2:
_tile_overlayer_lowered:
.L_overlay_start_2:
0x9e: {  	(tag) =	ssettag $0x2  }
0x9f: {  	s0 =	rddreg [dreg:$0x0];
	s2 =	stileid.u32  }
0xa0: {  	s1 =	rddreg [dreg:$0x1];
	p0 =	sne.s32 s2, $0x0  }
0xa1: {  	s3 =	rddreg [dreg:$0x2];
	[bflag:$0x3] =	sbarrier.arrive $0xFFFF;
	s2 =	simm.s32 @!p0 $0x1C05  }
0xa2: {  	[timem:s3], [sflag:s2] =	dma.local @!p0 [hbm:s0], s1  }
0xa3: {  	s0 =	simm.s32 @!p0 $0x5  }
0xa4: {  	_ =	swait.ge @!p0 [sflag:s0], s1  }
0xa5: {  	s1 =	ssub.s32 @!p0 $0x0, s1;
	[sflag:s0] =	ssyncset.done @!p0 $0x0  }
0xa6: {  	[sflag:s0] =	ssyncadd.s32 @!p0 s1  }
0xa7: {  	[bflag:$0x3] =	sbarrier.arrive $0xFFFF  }
0xa8: {  	_ =	shalt  }

</sc_bundles>
